<compile_context>
chip_gen: v7x
topology: tpu7x:2x2x1
jax: 0.10.2.dev20260603
libtpu: 0.0.44.dev20260713+nightly
codegen_flags: <defaults>
</compile_context>

<pallas_src>
import functools

import numpy as np
import jax
import jax.numpy as jnp
from jax import lax
from jax.experimental import pallas as pl
from jax.experimental.pallas import tpu as pltpu
from jax.experimental.pallas import tpu_sc as plsc

_VOCAB = 1000000
_EMBED = 64
_SEQ = 200
_NSEQ = 4096
_NC, _NS = 2, 16
_NW = _NC * _NS
_C = _NSEQ // _NW
_SCALE = 8.0


def _pe_table(length, depth):
    half = depth / 2
    positions = np.arange(length)[:, np.newaxis]
    depths = np.arange(half)[np.newaxis, :] / half
    angle_rates = 1.0 / (10000.0 ** depths)
    angle_rads = positions * angle_rates
    return np.concatenate(
        [np.sin(angle_rads), np.cos(angle_rads)], axis=-1
    ).astype(np.float32)


_PE_NP = _pe_table(_SEQ, _EMBED).reshape(100, 128)

_MESH = plsc.VectorSubcoreMesh(core_axis_name="c", subcore_axis_name="s")


@functools.partial(
    pl.kernel,
    mesh=_MESH,
    out_type=jax.ShapeDtypeStruct((_SEQ, _EMBED, _NSEQ), jnp.float32),
    compiler_params=pltpu.CompilerParams(needs_layout_passes=False),
    scratch_types=[
        pltpu.VMEM((_SEQ, _C), jnp.int32),
        pltpu.VMEM((100, 128), jnp.float32),
        pltpu.VMEM((2, _C), jnp.int32),
        pltpu.VMEM((2, _C, 128), jnp.float32),
        pltpu.VMEM((2, _EMBED, _C), jnp.float32),
        pltpu.SemaphoreType.DMA,
        pltpu.SemaphoreType.DMA,
        pltpu.SemaphoreType.DMA,
        pltpu.SemaphoreType.DMA,
    ],
)
def _emb_kernel(xt_hbm, pairs_hbm, pe_hbm, out_hbm,
                x_v, pe_v, idx_v, g_v, t_v, gsem0, gsem1, osem0, osem1):
    wid = lax.axis_index("s") * _NC + lax.axis_index("c")
    s0 = wid * _C
    pltpu.sync_copy(xt_hbm.at[:, pl.ds(s0, _C)], x_v)
    pltpu.sync_copy(pe_hbm, pe_v)

    iota = lax.iota(jnp.int32, 16)

    def stage_idx(p, slot):
        @plsc.parallel_loop(0, _C // 16, unroll=4)
        def _(k):
            xv = x_v[p, pl.ds(k * 16, 16)]
            idx_v[slot, pl.ds(k * 16, 16)] = lax.shift_right_logical(
                xv, jnp.int32(1))

    def compute_and_write(p, slot, osem, need_owait):
        @pl.when(need_owait)
        def _():
            pltpu.make_async_copy(
                t_v.at[slot], out_hbm.at[p, :, pl.ds(s0, _C)], osem).wait()

        colbs = []
        rows = []
        for k in range(_C // 16):
            xv = x_v[p, pl.ds(k * 16, 16)]
            colbs.append(lax.shift_left(
                lax.bitwise_and(xv, jnp.int32(1)), jnp.int32(6)))
            rows.append(iota + jnp.int32(16 * k))

        @plsc.parallel_loop(0, _EMBED, unroll=4)
        def _(e):
            flat = p * jnp.int32(_EMBED) + e
            per = jnp.full((16,), lax.shift_right_logical(flat, jnp.int32(7)),
                           dtype=jnp.int32)
            pec = jnp.full((16,), lax.bitwise_and(flat, jnp.int32(127)),
                           dtype=jnp.int32)
            pe16 = plsc.load_gather(pe_v, [per, pec])
            vals = []
            for k in range(_C // 16):
                col = colbs[k] + e
                vals.append(plsc.load_gather(g_v.at[slot], [rows[k], col]))
            for k in range(_C // 16):
                t_v[slot, e, pl.ds(k * 16, 16)] = vals[k] * _SCALE + pe16

        pltpu.async_copy(t_v.at[slot], out_hbm.at[p, :, pl.ds(s0, _C)], osem)

    stage_idx(0, 0)
    pltpu.async_copy(pairs_hbm.at[idx_v.at[0]], g_v.at[0], gsem0)

    def pair_body(q, c):
        p0 = 2 * q
        p1 = p0 + 1

        stage_idx(p1, 1)
        cp1 = pltpu.async_copy(pairs_hbm.at[idx_v.at[1]], g_v.at[1], gsem1)

        pltpu.make_async_copy(pairs_hbm.at[idx_v.at[0]], g_v.at[0],
                              gsem0).wait()
        compute_and_write(p0, 0, osem0, q > 0)

        @pl.when(q + 1 < _SEQ // 2)
        def _():
            stage_idx(p0 + 2, 0)
            pltpu.async_copy(pairs_hbm.at[idx_v.at[0]], g_v.at[0], gsem0)

        cp1.wait()
        compute_and_write(p1, 1, osem1, q > 0)
        return c

    lax.fori_loop(0, _SEQ // 2, pair_body, 0)

    pltpu.make_async_copy(t_v.at[0],
                          out_hbm.at[_SEQ - 2, :, pl.ds(s0, _C)],
                          osem0).wait()
    pltpu.make_async_copy(t_v.at[1],
                          out_hbm.at[_SEQ - 1, :, pl.ds(s0, _C)],
                          osem1).wait()


def kernel(x, table):
    xt = x.T.astype(jnp.int32)
    pairs = table.reshape(_VOCAB // 2, 128)
    pe = jnp.asarray(_PE_NP)
    out_t = _emb_kernel(xt, pairs, pe)
    return out_t.transpose(2, 0, 1)

# --- scband reference (transcript-rebuilt; emitter-appended) ---
"""Pipeline reference for scband-positional-encoding-6107443495170 (READ-ONLY COPY).

The authoritative reference and input builder live on the scoring server;
editing this copy changes nothing except your own understanding.
"""

import jax, jax.numpy as jnp
import numpy as np

VOCAB = 1000000
EMBED = 64
PE_LEN = 2048


def _positional_encoding(length, depth):
    half = depth / 2
    positions = np.arange(length)[:, np.newaxis]
    depths = np.arange(half)[np.newaxis, :] / half
    angle_rates = 1.0 / (10000.0 ** depths)
    angle_rads = positions * angle_rates
    pos_encoding = np.concatenate([np.sin(angle_rads), np.cos(angle_rads)], axis=-1)
    return jnp.asarray(pos_encoding, dtype=jnp.float32)


def setup_inputs(seed: int = 0) -> dict:
    key = jax.random.key(seed)
    k1, k2 = jax.random.split(key)
    x = jax.random.randint(k1, (4096, 200), 0, VOCAB, dtype=jnp.int64 if jax.config.read('jax_enable_x64') else jnp.int32)
    table = jax.random.normal(k2, (VOCAB, EMBED), dtype=jnp.float32) * 0.05
    return {"x": x, "table": table}


def reference(x, table):
    length = x.shape[1]
    pe = _positional_encoding(PE_LEN, EMBED)
    emb = jnp.take(table, x, axis=0)
    emb = emb * jnp.sqrt(jnp.asarray(EMBED, dtype=jnp.float32))
    out = emb + pe[jnp.newaxis, :length, :]
    return out

if __name__ == "__main__":
    import jax
    _d = setup_inputs()
    print(jax.jit(kernel)(*tuple(_d.values())))

</pallas_src>

<mosaic_0001>
#map = affine_map<(d0, d1) -> (0, 0)>
#map1 = affine_map<(d0, d1) -> (0, 0, 0)>
module attributes {stable_mosaic.version = 14 : i64} {
  func.func @_emb_kernel(%arg0: i32, %arg1: i32, %arg2: memref<200x4096xi32, #tpu.memory_space<hbm>>, %arg3: memref<500000x128xf32, #tpu.memory_space<hbm>>, %arg4: memref<100x128xf32, #tpu.memory_space<hbm>>, %arg5: memref<200x64x4096xf32, #tpu.memory_space<hbm>>, %arg6: memref<200x128xi32, #tpu.memory_space<vmem>>, %arg7: memref<100x128xf32, #tpu.memory_space<vmem>>, %arg8: memref<2x128xi32, #tpu.memory_space<vmem>>, %arg9: memref<2x128x128xf32, #tpu.memory_space<vmem>>, %arg10: memref<2x64x128xf32, #tpu.memory_space<vmem>>, %arg11: memref<!tpu.dma_semaphore, #tpu.memory_space<semaphore_mem>>, %arg12: memref<!tpu.dma_semaphore, #tpu.memory_space<semaphore_mem>>, %arg13: memref<!tpu.dma_semaphore, #tpu.memory_space<semaphore_mem>>, %arg14: memref<!tpu.dma_semaphore, #tpu.memory_space<semaphore_mem>>) attributes {dimension_semantics = [#tpu.dimension_semantics<core_parallel>, #tpu.dimension_semantics<subcore_parallel>], iteration_bounds = array<i64: 2, 16>, scalar_prefetch = 0 : i64, scratch_operands = 9 : i64, tpu.core_type = #tpu.core_type<sc_vector_subcore>, window_params = [{transform_indices = #map}, {transform_indices = #map}, {transform_indices = #map}, {transform_indices = #map1}]} {
    %mul3A = arith.constant 2 : i32
    %mul3A_0 = arith.muli %arg1, %mul3A : i32
    %add3A = arith.addi %mul3A_0, %arg0 : i32
    %mul3A_1 = arith.constant 128 : i32
    %mul3A_2 = arith.muli %add3A, %mul3A_1 : i32
    "tpu.region"() ({
      %run_scoped3A = tpu.sem_alloc : memref<!tpu.dma_semaphore, #tpu.memory_space<semaphore_mem>>
      %dma_start3A_52 = arith.constant 0 : i32
      %dma_start3A_53 = tpu.memref_slice %arg2[%dma_start3A_52, %mul3A_2] : memref<200x4096xi32, #tpu.memory_space<hbm>> -> memref<200x128xi32, #tpu.memory_space<hbm>>
      %dma_start3A_54 = arith.constant 0 : i32
      %dma_start3A_55 = tpu.memref_slice %arg2[%dma_start3A_54, %mul3A_2] : memref<200x4096xi32, #tpu.memory_space<hbm>> -> memref<200x128xi32, #tpu.memory_space<hbm>>
      tpu.enqueue_dma source(%dma_start3A_55 : memref<200x128xi32, #tpu.memory_space<hbm>>) target(%arg6 : memref<200x128xi32, #tpu.memory_space<vmem>>) target_semaphore(%run_scoped3A : memref<!tpu.dma_semaphore, #tpu.memory_space<semaphore_mem>>)
      %dma_wait3A_56 = arith.constant 0 : i32
      %dma_wait3A_57 = tpu.memref_slice %arg2[%dma_wait3A_56, %mul3A_2] : memref<200x4096xi32, #tpu.memory_space<hbm>> -> memref<200x128xi32, #tpu.memory_space<hbm>>
      %dma_wait3A_58 = arith.constant 0 : i32
      %dma_wait3A_59 = tpu.memref_slice %arg2[%dma_wait3A_58, %mul3A_2] : memref<200x4096xi32, #tpu.memory_space<hbm>> -> memref<200x128xi32, #tpu.memory_space<hbm>>
      tpu.wait_dma2 semaphore(%run_scoped3A : memref<!tpu.dma_semaphore, #tpu.memory_space<semaphore_mem>>) src(%dma_wait3A_59 : memref<200x128xi32, #tpu.memory_space<hbm>>) dst(%arg6 : memref<200x128xi32, #tpu.memory_space<vmem>>)
      tpu.yield
    }) : () -> ()
    "tpu.region"() ({
      %run_scoped3A = tpu.sem_alloc : memref<!tpu.dma_semaphore, #tpu.memory_space<semaphore_mem>>
      tpu.enqueue_dma source(%arg4 : memref<100x128xf32, #tpu.memory_space<hbm>>) target(%arg7 : memref<100x128xf32, #tpu.memory_space<vmem>>) target_semaphore(%run_scoped3A : memref<!tpu.dma_semaphore, #tpu.memory_space<semaphore_mem>>)
      tpu.wait_dma2 semaphore(%run_scoped3A : memref<!tpu.dma_semaphore, #tpu.memory_space<semaphore_mem>>) src(%arg4 : memref<100x128xf32, #tpu.memory_space<hbm>>) dst(%arg7 : memref<100x128xf32, #tpu.memory_space<vmem>>)
      tpu.yield
    }) : () -> ()
    %iota3A = tpu.iota {dimensions = array<i32: 0>} : vector<16xi32>
    %parallel_loop3A = arith.constant 0 : i32
    %parallel_loop3A_3 = arith.constant 8 : i32
    %parallel_loop3A_4 = arith.constant 1 : i32
    scf.for %parallel_loop3A_52 = %parallel_loop3A to %parallel_loop3A_3 step %parallel_loop3A_4  : i32 {
      %parallel_loop3A_53 = arith.constant 16 : i32
      %parallel_loop3A_54 = arith.muli %parallel_loop3A_52, %parallel_loop3A_53 : i32
      %parallel_loop3A_55 = arith.constant 0 : i32
      %parallel_loop3A_56 = arith.index_cast %parallel_loop3A_55 : i32 to index
      %parallel_loop3A_57 = arith.index_cast %parallel_loop3A_54 : i32 to index
      %parallel_loop3A_58 = tpu.vector_load %arg6[%parallel_loop3A_56, %parallel_loop3A_57] {strides = array<i32>} : memref<200x128xi32, #tpu.memory_space<vmem>>, vector<16xi32>,
      %parallel_loop3A_59 = arith.constant 1 : i32
      %parallel_loop3A_60 = vector.broadcast %parallel_loop3A_59 : i32 to vector<16xi32>
      %parallel_loop3A_61 = arith.shrui %parallel_loop3A_58, %parallel_loop3A_60 : vector<16xi32>
      %parallel_loop3A_62 = arith.constant 16 : i32
      %parallel_loop3A_63 = arith.muli %parallel_loop3A_52, %parallel_loop3A_62 : i32
      %parallel_loop3A_64 = arith.constant 0 : i32
      %parallel_loop3A_65 = arith.index_cast %parallel_loop3A_64 : i32 to index
      %parallel_loop3A_66 = arith.index_cast %parallel_loop3A_63 : i32 to index
      %parallel_loop3A_67 = tpu.vector_load %arg8[%parallel_loop3A_65, %parallel_loop3A_66] {strides = array<i32>} : memref<2x128xi32, #tpu.memory_space<vmem>>, vector<16xi32>,
      tpu.vector_store %arg8[%parallel_loop3A_65, %parallel_loop3A_66], %parallel_loop3A_61 {strides = array<i32>} : memref<2x128xi32, #tpu.memory_space<vmem>>, vector<16xi32>,
    } {sc.loop_unroll_factor = 4 : i64, sc.parallel_access}
    %dma_start3A = arith.constant 0 : i32
    %dma_start3A_5 = arith.constant 0 : i32
    %dma_start3A_6 = arith.constant 0 : i32
    %dma_start3A_7 = arith.constant 0 : i32
    %dma_start3A_8 = tpu.memref_slice %arg9[%dma_start3A_5, %dma_start3A_6, %dma_start3A_7] : memref<2x128x128xf32, #tpu.memory_space<vmem>> -> memref<1x128x128xf32, #tpu.memory_space<vmem>>
    %dma_start3A_9 = tpu.memref_squeeze %dma_start3A_8 : memref<1x128x128xf32, #tpu.memory_space<vmem>> -> memref<128x128xf32, #tpu.memory_space<vmem>>
    %dma_start3A_10 = arith.constant 0 : i32
    %dma_start3A_11 = tpu.memref_slice %arg8[%dma_start3A, %dma_start3A_10] : memref<2x128xi32, #tpu.memory_space<vmem>> -> memref<1x128xi32, #tpu.memory_space<vmem>>
    %dma_start3A_12 = tpu.memref_squeeze %dma_start3A_11 : memref<1x128xi32, #tpu.memory_space<vmem>> -> memref<128xi32, #tpu.memory_space<vmem>>
    %dma_start3A_13 = arith.constant 0 : i32
    %dma_start3A_14 = arith.constant 0 : i32
    %dma_start3A_15 = tpu.memref_slice %arg3[%dma_start3A_13, %dma_start3A_14] : memref<500000x128xf32, #tpu.memory_space<hbm>> -> memref<500000x128xf32, #tpu.memory_space<hbm>>
    tpu.enqueue_indirect_dma source(%dma_start3A_15 : memref<500000x128xf32, #tpu.memory_space<hbm>>) target(%dma_start3A_9 : memref<128x128xf32, #tpu.memory_space<vmem>>) offsets(%dma_start3A_12 : memref<128xi32, #tpu.memory_space<vmem>>) semaphore(%arg11 : memref<!tpu.dma_semaphore, #tpu.memory_space<semaphore_mem>>)
    %scan3A = arith.constant 0 : i32
    %scan3A_16 = arith.constant 0 : i32
    %scan3A_17 = arith.constant 100 : i32
    %scan3A_18 = arith.addi %scan3A_16, %scan3A_17 : i32
    %scan3A_19 = arith.constant 1 : i32
    scf.for %scan3A_52 = %scan3A_16 to %scan3A_18 step %scan3A_19  : i32 {
      %mul3A_53 = arith.constant 2 : i32
      %mul3A_54 = arith.muli %mul3A_53, %scan3A_52 : i32
      %add3A_55 = arith.constant 1 : i32
      %add3A_56 = arith.addi %mul3A_54, %add3A_55 : i32
      %parallel_loop3A_57 = arith.constant 0 : i32
      %parallel_loop3A_58 = arith.constant 8 : i32
      %parallel_loop3A_59 = arith.constant 1 : i32
      scf.for %parallel_loop3A_334 = %parallel_loop3A_57 to %parallel_loop3A_58 step %parallel_loop3A_59  : i32 {
        %parallel_loop3A_335 = arith.constant 16 : i32
        %parallel_loop3A_336 = arith.muli %parallel_loop3A_334, %parallel_loop3A_335 : i32
        %parallel_loop3A_337 = arith.index_cast %add3A_56 : i32 to index
        %parallel_loop3A_338 = arith.index_cast %parallel_loop3A_336 : i32 to index
        %parallel_loop3A_339 = tpu.vector_load %arg6[%parallel_loop3A_337, %parallel_loop3A_338] {strides = array<i32>} : memref<200x128xi32, #tpu.memory_space<vmem>>, vector<16xi32>,
        %parallel_loop3A_340 = arith.constant 1 : i32
        %parallel_loop3A_341 = vector.broadcast %parallel_loop3A_340 : i32 to vector<16xi32>
        %parallel_loop3A_342 = arith.shrui %parallel_loop3A_339, %parallel_loop3A_341 : vector<16xi32>
        %parallel_loop3A_343 = arith.constant 16 : i32
        %parallel_loop3A_344 = arith.muli %parallel_loop3A_334, %parallel_loop3A_343 : i32
        %parallel_loop3A_345 = arith.constant 1 : i32
        %parallel_loop3A_346 = arith.index_cast %parallel_loop3A_345 : i32 to index
        %parallel_loop3A_347 = arith.index_cast %parallel_loop3A_344 : i32 to index
        %parallel_loop3A_348 = tpu.vector_load %arg8[%parallel_loop3A_346, %parallel_loop3A_347] {strides = array<i32>} : memref<2x128xi32, #tpu.memory_space<vmem>>, vector<16xi32>,
        tpu.vector_store %arg8[%parallel_loop3A_346, %parallel_loop3A_347], %parallel_loop3A_342 {strides = array<i32>} : memref<2x128xi32, #tpu.memory_space<vmem>>, vector<16xi32>,
      } {sc.loop_unroll_factor = 4 : i64, sc.parallel_access}
      %dma_start3A_60 = arith.constant 1 : i32
      %dma_start3A_61 = arith.constant 1 : i32
      %dma_start3A_62 = arith.constant 0 : i32
      %dma_start3A_63 = arith.constant 0 : i32
      %dma_start3A_64 = tpu.memref_slice %arg9[%dma_start3A_61, %dma_start3A_62, %dma_start3A_63] : memref<2x128x128xf32, #tpu.memory_space<vmem>> -> memref<1x128x128xf32, #tpu.memory_space<vmem>>
      %dma_start3A_65 = tpu.memref_squeeze %dma_start3A_64 : memref<1x128x128xf32, #tpu.memory_space<vmem>> -> memref<128x128xf32, #tpu.memory_space<vmem>>
      %dma_start3A_66 = arith.constant 0 : i32
      %dma_start3A_67 = tpu.memref_slice %arg8[%dma_start3A_60, %dma_start3A_66] : memref<2x128xi32, #tpu.memory_space<vmem>> -> memref<1x128xi32, #tpu.memory_space<vmem>>
      %dma_start3A_68 = tpu.memref_squeeze %dma_start3A_67 : memref<1x128xi32, #tpu.memory_space<vmem>> -> memref<128xi32, #tpu.memory_space<vmem>>
      %dma_start3A_69 = arith.constant 0 : i32
      %dma_start3A_70 = arith.constant 0 : i32
      %dma_start3A_71 = tpu.memref_slice %arg3[%dma_start3A_69, %dma_start3A_70] : memref<500000x128xf32, #tpu.memory_space<hbm>> -> memref<500000x128xf32, #tpu.memory_space<hbm>>
      tpu.enqueue_indirect_dma source(%dma_start3A_71 : memref<500000x128xf32, #tpu.memory_space<hbm>>) target(%dma_start3A_65 : memref<128x128xf32, #tpu.memory_space<vmem>>) offsets(%dma_start3A_68 : memref<128xi32, #tpu.memory_space<vmem>>) semaphore(%arg12 : memref<!tpu.dma_semaphore, #tpu.memory_space<semaphore_mem>>)
      %dma_wait3A_72 = arith.constant 0 : i32
      %dma_wait3A_73 = arith.constant 0 : i32
      %dma_wait3A_74 = arith.constant 0 : i32
      %dma_wait3A_75 = arith.constant 0 : i32
      %dma_wait3A_76 = tpu.memref_slice %arg9[%dma_wait3A_73, %dma_wait3A_74, %dma_wait3A_75] : memref<2x128x128xf32, #tpu.memory_space<vmem>> -> memref<1x128x128xf32, #tpu.memory_space<vmem>>
      %dma_wait3A_77 = tpu.memref_squeeze %dma_wait3A_76 : memref<1x128x128xf32, #tpu.memory_space<vmem>> -> memref<128x128xf32, #tpu.memory_space<vmem>>
      %dma_wait3A_78 = arith.constant 0 : i32
      %dma_wait3A_79 = tpu.memref_slice %arg8[%dma_wait3A_72, %dma_wait3A_78] : memref<2x128xi32, #tpu.memory_space<vmem>> -> memref<1x128xi32, #tpu.memory_space<vmem>>
      %dma_wait3A_80 = tpu.memref_squeeze %dma_wait3A_79 : memref<1x128xi32, #tpu.memory_space<vmem>> -> memref<128xi32, #tpu.memory_space<vmem>>
      %dma_wait3A_81 = arith.constant 0 : i32
      %dma_wait3A_82 = arith.constant 0 : i32
      %dma_wait3A_83 = tpu.memref_slice %arg3[%dma_wait3A_81, %dma_wait3A_82] : memref<500000x128xf32, #tpu.memory_space<hbm>> -> memref<500000x128xf32, #tpu.memory_space<hbm>>
      tpu.wait_indirect_dma semaphore(%arg11 : memref<!tpu.dma_semaphore, #tpu.memory_space<semaphore_mem>>) src(%dma_wait3A_83 : memref<500000x128xf32, #tpu.memory_space<hbm>>) dst(%dma_wait3A_77 : memref<128x128xf32, #tpu.memory_space<vmem>>)
      %gt3A = arith.constant 0 : i32
      %gt3A_84 = arith.cmpi sgt, %scan3A_52, %gt3A : i32
      %convert_element_type3A = arith.extui %gt3A_84 : i1 to i32
      %cond3A = arith.constant 0 : i32
      %cond3A_85 = arith.cmpi ne, %convert_element_type3A, %cond3A : i32
      scf.if %cond3A_85 {
        %dma_wait3A_334 = arith.constant 0 : i32
        %dma_wait3A_335 = arith.constant 0 : i32
        %dma_wait3A_336 = arith.constant 0 : i32
        %dma_wait3A_337 = tpu.memref_slice %arg10[%dma_wait3A_334, %dma_wait3A_335, %dma_wait3A_336] : memref<2x64x128xf32, #tpu.memory_space<vmem>> -> memref<1x64x128xf32, #tpu.memory_space<vmem>>
        %dma_wait3A_338 = tpu.memref_squeeze %dma_wait3A_337 : memref<1x64x128xf32, #tpu.memory_space<vmem>> -> memref<64x128xf32, #tpu.memory_space<vmem>>
        %dma_wait3A_339 = arith.constant 0 : i32
        %dma_wait3A_340 = tpu.memref_slice %arg5[%mul3A_54, %dma_wait3A_339, %mul3A_2] : memref<200x64x4096xf32, #tpu.memory_space<hbm>> -> memref<1x64x128xf32, #tpu.memory_space<hbm>>
        %dma_wait3A_341 = tpu.memref_squeeze %dma_wait3A_340 : memref<1x64x128xf32, #tpu.memory_space<hbm>> -> memref<64x128xf32, #tpu.memory_space<hbm>>
        %dma_wait3A_342 = arith.constant 0 : i32
        %dma_wait3A_343 = tpu.memref_slice %arg5[%mul3A_54, %dma_wait3A_342, %mul3A_2] : memref<200x64x4096xf32, #tpu.memory_space<hbm>> -> memref<1x64x128xf32, #tpu.memory_space<hbm>>
        %dma_wait3A_344 = tpu.memref_squeeze %dma_wait3A_343 : memref<1x64x128xf32, #tpu.memory_space<hbm>> -> memref<64x128xf32, #tpu.memory_space<hbm>>
        %dma_wait3A_345 = arith.constant 0 : i32
        %dma_wait3A_346 = arith.constant 0 : i32
        %dma_wait3A_347 = tpu.memref_slice %arg10[%dma_wait3A_334, %dma_wait3A_345, %dma_wait3A_346] : memref<2x64x128xf32, #tpu.memory_space<vmem>> -> memref<1x64x128xf32, #tpu.memory_space<vmem>>
        %dma_wait3A_348 = tpu.memref_squeeze %dma_wait3A_347 : memref<1x64x128xf32, #tpu.memory_space<vmem>> -> memref<64x128xf32, #tpu.memory_space<vmem>>
        tpu.wait_dma2 semaphore(%arg13 : memref<!tpu.dma_semaphore, #tpu.memory_space<semaphore_mem>>) src(%dma_wait3A_348 : memref<64x128xf32, #tpu.memory_space<vmem>>) dst(%dma_wait3A_344 : memref<64x128xf32, #tpu.memory_space<hbm>>)
      } else {
      }
      %get3A = arith.index_cast %mul3A_54 : i32 to index
      %get3A_86 = arith.constant 0 : index
      %get3A_87 = tpu.vector_load %arg6[%get3A, %get3A_86] {strides = array<i32>} : memref<200x128xi32, #tpu.memory_space<vmem>>, vector<16xi32>,
      %and3A = arith.constant 1 : i32
      %and3A_88 = vector.broadcast %and3A : i32 to vector<16xi32>
      %and3A_89 = arith.andi %get3A_87, %and3A_88 : vector<16xi32>
      %shift_left3A = arith.constant 6 : i32
      %shift_left3A_90 = vector.broadcast %shift_left3A : i32 to vector<16xi32>
      %shift_left3A_91 = arith.shli %and3A_89, %shift_left3A_90 : vector<16xi32>
      %add3A_92 = arith.constant 0 : i32
      %add3A_93 = vector.broadcast %add3A_92 : i32 to vector<16xi32>
      %add3A_94 = arith.addi %iota3A, %add3A_93 : vector<16xi32>
      %get3A_95 = arith.index_cast %mul3A_54 : i32 to index
      %get3A_96 = arith.constant 16 : index
      %get3A_97 = tpu.vector_load %arg6[%get3A_95, %get3A_96] {strides = array<i32>} : memref<200x128xi32, #tpu.memory_space<vmem>>, vector<16xi32>,
      %and3A_98 = arith.constant 1 : i32
      %and3A_99 = vector.broadcast %and3A_98 : i32 to vector<16xi32>
      %and3A_100 = arith.andi %get3A_97, %and3A_99 : vector<16xi32>
      %shift_left3A_101 = arith.constant 6 : i32
      %shift_left3A_102 = vector.broadcast %shift_left3A_101 : i32 to vector<16xi32>
      %shift_left3A_103 = arith.shli %and3A_100, %shift_left3A_102 : vector<16xi32>
      %add3A_104 = arith.constant 16 : i32
      %add3A_105 = vector.broadcast %add3A_104 : i32 to vector<16xi32>
      %add3A_106 = arith.addi %iota3A, %add3A_105 : vector<16xi32>
      %get3A_107 = arith.index_cast %mul3A_54 : i32 to index
      %get3A_108 = arith.constant 32 : index
      %get3A_109 = tpu.vector_load %arg6[%get3A_107, %get3A_108] {strides = array<i32>} : memref<200x128xi32, #tpu.memory_space<vmem>>, vector<16xi32>,
      %and3A_110 = arith.constant 1 : i32
      %and3A_111 = vector.broadcast %and3A_110 : i32 to vector<16xi32>
      %and3A_112 = arith.andi %get3A_109, %and3A_111 : vector<16xi32>
      %shift_left3A_113 = arith.constant 6 : i32
      %shift_left3A_114 = vector.broadcast %shift_left3A_113 : i32 to vector<16xi32>
      %shift_left3A_115 = arith.shli %and3A_112, %shift_left3A_114 : vector<16xi32>
      %add3A_116 = arith.constant 32 : i32
      %add3A_117 = vector.broadcast %add3A_116 : i32 to vector<16xi32>
      %add3A_118 = arith.addi %iota3A, %add3A_117 : vector<16xi32>
      %get3A_119 = arith.index_cast %mul3A_54 : i32 to index
      %get3A_120 = arith.constant 48 : index
      %get3A_121 = tpu.vector_load %arg6[%get3A_119, %get3A_120] {strides = array<i32>} : memref<200x128xi32, #tpu.memory_space<vmem>>, vector<16xi32>,
      %and3A_122 = arith.constant 1 : i32
      %and3A_123 = vector.broadcast %and3A_122 : i32 to vector<16xi32>
      %and3A_124 = arith.andi %get3A_121, %and3A_123 : vector<16xi32>
      %shift_left3A_125 = arith.constant 6 : i32
      %shift_left3A_126 = vector.broadcast %shift_left3A_125 : i32 to vector<16xi32>
      %shift_left3A_127 = arith.shli %and3A_124, %shift_left3A_126 : vector<16xi32>
      %add3A_128 = arith.constant 48 : i32
      %add3A_129 = vector.broadcast %add3A_128 : i32 to vector<16xi32>
      %add3A_130 = arith.addi %iota3A, %add3A_129 : vector<16xi32>
      %get3A_131 = arith.index_cast %mul3A_54 : i32 to index
      %get3A_132 = arith.constant 64 : index
      %get3A_133 = tpu.vector_load %arg6[%get3A_131, %get3A_132] {strides = array<i32>} : memref<200x128xi32, #tpu.memory_space<vmem>>, vector<16xi32>,
      %and3A_134 = arith.constant 1 : i32
      %and3A_135 = vector.broadcast %and3A_134 : i32 to vector<16xi32>
      %and3A_136 = arith.andi %get3A_133, %and3A_135 : vector<16xi32>
      %shift_left3A_137 = arith.constant 6 : i32
      %shift_left3A_138 = vector.broadcast %shift_left3A_137 : i32 to vector<16xi32>
      %shift_left3A_139 = arith.shli %and3A_136, %shift_left3A_138 : vector<16xi32>
      %add3A_140 = arith.constant 64 : i32
      %add3A_141 = vector.broadcast %add3A_140 : i32 to vector<16xi32>
      %add3A_142 = arith.addi %iota3A, %add3A_141 : vector<16xi32>
      %get3A_143 = arith.index_cast %mul3A_54 : i32 to index
      %get3A_144 = arith.constant 80 : index
      %get3A_145 = tpu.vector_load %arg6[%get3A_143, %get3A_144] {strides = array<i32>} : memref<200x128xi32, #tpu.memory_space<vmem>>, vector<16xi32>,
      %and3A_146 = arith.constant 1 : i32
      %and3A_147 = vector.broadcast %and3A_146 : i32 to vector<16xi32>
      %and3A_148 = arith.andi %get3A_145, %and3A_147 : vector<16xi32>
      %shift_left3A_149 = arith.constant 6 : i32
      %shift_left3A_150 = vector.broadcast %shift_left3A_149 : i32 to vector<16xi32>
      %shift_left3A_151 = arith.shli %and3A_148, %shift_left3A_150 : vector<16xi32>
      %add3A_152 = arith.constant 80 : i32
      %add3A_153 = vector.broadcast %add3A_152 : i32 to vector<16xi32>
      %add3A_154 = arith.addi %iota3A, %add3A_153 : vector<16xi32>
      %get3A_155 = arith.index_cast %mul3A_54 : i32 to index
      %get3A_156 = arith.constant 96 : index
      %get3A_157 = tpu.vector_load %arg6[%get3A_155, %get3A_156] {strides = array<i32>} : memref<200x128xi32, #tpu.memory_space<vmem>>, vector<16xi32>,
      %and3A_158 = arith.constant 1 : i32
      %and3A_159 = vector.broadcast %and3A_158 : i32 to vector<16xi32>
      %and3A_160 = arith.andi %get3A_157, %and3A_159 : vector<16xi32>
      %shift_left3A_161 = arith.constant 6 : i32
      %shift_left3A_162 = vector.broadcast %shift_left3A_161 : i32 to vector<16xi32>
      %shift_left3A_163 = arith.shli %and3A_160, %shift_left3A_162 : vector<16xi32>
      %add3A_164 = arith.constant 96 : i32
      %add3A_165 = vector.broadcast %add3A_164 : i32 to vector<16xi32>
      %add3A_166 = arith.addi %iota3A, %add3A_165 : vector<16xi32>
      %get3A_167 = arith.index_cast %mul3A_54 : i32 to index
      %get3A_168 = arith.constant 112 : index
      %get3A_169 = tpu.vector_load %arg6[%get3A_167, %get3A_168] {strides = array<i32>} : memref<200x128xi32, #tpu.memory_space<vmem>>, vector<16xi32>,
      %and3A_170 = arith.constant 1 : i32
      %and3A_171 = vector.broadcast %and3A_170 : i32 to vector<16xi32>
      %and3A_172 = arith.andi %get3A_169, %and3A_171 : vector<16xi32>
      %shift_left3A_173 = arith.constant 6 : i32
      %shift_left3A_174 = vector.broadcast %shift_left3A_173 : i32 to vector<16xi32>
      %shift_left3A_175 = arith.shli %and3A_172, %shift_left3A_174 : vector<16xi32>
      %add3A_176 = arith.constant 112 : i32
      %add3A_177 = vector.broadcast %add3A_176 : i32 to vector<16xi32>
      %add3A_178 = arith.addi %iota3A, %add3A_177 : vector<16xi32>
      %parallel_loop3A_179 = arith.constant 0 : i32
      %parallel_loop3A_180 = arith.constant 64 : i32
      %parallel_loop3A_181 = arith.constant 1 : i32
      scf.for %parallel_loop3A_334 = %parallel_loop3A_179 to %parallel_loop3A_180 step %parallel_loop3A_181  : i32 {
        %parallel_loop3A_335 = arith.constant 64 : i32
        %parallel_loop3A_336 = arith.muli %mul3A_54, %parallel_loop3A_335 : i32
        %parallel_loop3A_337 = arith.addi %parallel_loop3A_336, %parallel_loop3A_334 : i32
        %parallel_loop3A_338 = arith.constant 7 : i32
        %parallel_loop3A_339 = arith.shrui %parallel_loop3A_337, %parallel_loop3A_338 : i32
        %parallel_loop3A_340 = vector.broadcast %parallel_loop3A_339 : i32 to vector<16xi32>
        %parallel_loop3A_341 = arith.constant 127 : i32
        %parallel_loop3A_342 = arith.andi %parallel_loop3A_337, %parallel_loop3A_341 : i32
        %parallel_loop3A_343 = vector.broadcast %parallel_loop3A_342 : i32 to vector<16xi32>
        %parallel_loop3A_344 = tpu.vector_load_idx %arg7[%parallel_loop3A_340, %parallel_loop3A_343] : memref<100x128xf32, #tpu.memory_space<vmem>>[vector<16xi32>, vector<16xi32>], vector<16xf32>,
        %parallel_loop3A_345 = vector.broadcast %parallel_loop3A_334 : i32 to vector<16xi32>
        %parallel_loop3A_346 = arith.addi %shift_left3A_91, %parallel_loop3A_345 : vector<16xi32>
        %parallel_loop3A_347 = arith.constant 0 : i32
        %parallel_loop3A_348 = arith.constant 0 : i32
        %parallel_loop3A_349 = arith.constant 0 : i32
        %parallel_loop3A_350 = tpu.memref_slice %arg9[%parallel_loop3A_347, %parallel_loop3A_348, %parallel_loop3A_349] : memref<2x128x128xf32, #tpu.memory_space<vmem>> -> memref<1x128x128xf32, #tpu.memory_space<vmem>>
        %parallel_loop3A_351 = tpu.memref_squeeze %parallel_loop3A_350 : memref<1x128x128xf32, #tpu.memory_space<vmem>> -> memref<128x128xf32, #tpu.memory_space<vmem>>
        %parallel_loop3A_352 = tpu.vector_load_idx %parallel_loop3A_351[%add3A_94, %parallel_loop3A_346] : memref<128x128xf32, #tpu.memory_space<vmem>>[vector<16xi32>, vector<16xi32>], vector<16xf32>,
        %parallel_loop3A_353 = vector.broadcast %parallel_loop3A_334 : i32 to vector<16xi32>
        %parallel_loop3A_354 = arith.addi %shift_left3A_103, %parallel_loop3A_353 : vector<16xi32>
        %parallel_loop3A_355 = arith.constant 0 : i32
        %parallel_loop3A_356 = arith.constant 0 : i32
        %parallel_loop3A_357 = arith.constant 0 : i32
        %parallel_loop3A_358 = tpu.memref_slice %arg9[%parallel_loop3A_355, %parallel_loop3A_356, %parallel_loop3A_357] : memref<2x128x128xf32, #tpu.memory_space<vmem>> -> memref<1x128x128xf32, #tpu.memory_space<vmem>>
        %parallel_loop3A_359 = tpu.memref_squeeze %parallel_loop3A_358 : memref<1x128x128xf32, #tpu.memory_space<vmem>> -> memref<128x128xf32, #tpu.memory_space<vmem>>
        %parallel_loop3A_360 = tpu.vector_load_idx %parallel_loop3A_359[%add3A_106, %parallel_loop3A_354] : memref<128x128xf32, #tpu.memory_space<vmem>>[vector<16xi32>, vector<16xi32>], vector<16xf32>,
        %parallel_loop3A_361 = vector.broadcast %parallel_loop3A_334 : i32 to vector<16xi32>
        %parallel_loop3A_362 = arith.addi %shift_left3A_115, %parallel_loop3A_361 : vector<16xi32>
        %parallel_loop3A_363 = arith.constant 0 : i32
        %parallel_loop3A_364 = arith.constant 0 : i32
        %parallel_loop3A_365 = arith.constant 0 : i32
        %parallel_loop3A_366 = tpu.memref_slice %arg9[%parallel_loop3A_363, %parallel_loop3A_364, %parallel_loop3A_365] : memref<2x128x128xf32, #tpu.memory_space<vmem>> -> memref<1x128x128xf32, #tpu.memory_space<vmem>>
        %parallel_loop3A_367 = tpu.memref_squeeze %parallel_loop3A_366 : memref<1x128x128xf32, #tpu.memory_space<vmem>> -> memref<128x128xf32, #tpu.memory_space<vmem>>
        %parallel_loop3A_368 = tpu.vector_load_idx %parallel_loop3A_367[%add3A_118, %parallel_loop3A_362] : memref<128x128xf32, #tpu.memory_space<vmem>>[vector<16xi32>, vector<16xi32>], vector<16xf32>,
        %parallel_loop3A_369 = vector.broadcast %parallel_loop3A_334 : i32 to vector<16xi32>
        %parallel_loop3A_370 = arith.addi %shift_left3A_127, %parallel_loop3A_369 : vector<16xi32>
        %parallel_loop3A_371 = arith.constant 0 : i32
        %parallel_loop3A_372 = arith.constant 0 : i32
        %parallel_loop3A_373 = arith.constant 0 : i32
        %parallel_loop3A_374 = tpu.memref_slice %arg9[%parallel_loop3A_371, %parallel_loop3A_372, %parallel_loop3A_373] : memref<2x128x128xf32, #tpu.memory_space<vmem>> -> memref<1x128x128xf32, #tpu.memory_space<vmem>>
        %parallel_loop3A_375 = tpu.memref_squeeze %parallel_loop3A_374 : memref<1x128x128xf32, #tpu.memory_space<vmem>> -> memref<128x128xf32, #tpu.memory_space<vmem>>
        %parallel_loop3A_376 = tpu.vector_load_idx %parallel_loop3A_375[%add3A_130, %parallel_loop3A_370] : memref<128x128xf32, #tpu.memory_space<vmem>>[vector<16xi32>, vector<16xi32>], vector<16xf32>,
        %parallel_loop3A_377 = vector.broadcast %parallel_loop3A_334 : i32 to vector<16xi32>
        %parallel_loop3A_378 = arith.addi %shift_left3A_139, %parallel_loop3A_377 : vector<16xi32>
        %parallel_loop3A_379 = arith.constant 0 : i32
        %parallel_loop3A_380 = arith.constant 0 : i32
        %parallel_loop3A_381 = arith.constant 0 : i32
        %parallel_loop3A_382 = tpu.memref_slice %arg9[%parallel_loop3A_379, %parallel_loop3A_380, %parallel_loop3A_381] : memref<2x128x128xf32, #tpu.memory_space<vmem>> -> memref<1x128x128xf32, #tpu.memory_space<vmem>>
        %parallel_loop3A_383 = tpu.memref_squeeze %parallel_loop3A_382 : memref<1x128x128xf32, #tpu.memory_space<vmem>> -> memref<128x128xf32, #tpu.memory_space<vmem>>
        %parallel_loop3A_384 = tpu.vector_load_idx %parallel_loop3A_383[%add3A_142, %parallel_loop3A_378] : memref<128x128xf32, #tpu.memory_space<vmem>>[vector<16xi32>, vector<16xi32>], vector<16xf32>,
        %parallel_loop3A_385 = vector.broadcast %parallel_loop3A_334 : i32 to vector<16xi32>
        %parallel_loop3A_386 = arith.addi %shift_left3A_151, %parallel_loop3A_385 : vector<16xi32>
        %parallel_loop3A_387 = arith.constant 0 : i32
        %parallel_loop3A_388 = arith.constant 0 : i32
        %parallel_loop3A_389 = arith.constant 0 : i32
        %parallel_loop3A_390 = tpu.memref_slice %arg9[%parallel_loop3A_387, %parallel_loop3A_388, %parallel_loop3A_389] : memref<2x128x128xf32, #tpu.memory_space<vmem>> -> memref<1x128x128xf32, #tpu.memory_space<vmem>>
        %parallel_loop3A_391 = tpu.memref_squeeze %parallel_loop3A_390 : memref<1x128x128xf32, #tpu.memory_space<vmem>> -> memref<128x128xf32, #tpu.memory_space<vmem>>
        %parallel_loop3A_392 = tpu.vector_load_idx %parallel_loop3A_391[%add3A_154, %parallel_loop3A_386] : memref<128x128xf32, #tpu.memory_space<vmem>>[vector<16xi32>, vector<16xi32>], vector<16xf32>,
        %parallel_loop3A_393 = vector.broadcast %parallel_loop3A_334 : i32 to vector<16xi32>
        %parallel_loop3A_394 = arith.addi %shift_left3A_163, %parallel_loop3A_393 : vector<16xi32>
        %parallel_loop3A_395 = arith.constant 0 : i32
        %parallel_loop3A_396 = arith.constant 0 : i32
        %parallel_loop3A_397 = arith.constant 0 : i32
        %parallel_loop3A_398 = tpu.memref_slice %arg9[%parallel_loop3A_395, %parallel_loop3A_396, %parallel_loop3A_397] : memref<2x128x128xf32, #tpu.memory_space<vmem>> -> memref<1x128x128xf32, #tpu.memory_space<vmem>>
        %parallel_loop3A_399 = tpu.memref_squeeze %parallel_loop3A_398 : memref<1x128x128xf32, #tpu.memory_space<vmem>> -> memref<128x128xf32, #tpu.memory_space<vmem>>
        %parallel_loop3A_400 = tpu.vector_load_idx %parallel_loop3A_399[%add3A_166, %parallel_loop3A_394] : memref<128x128xf32, #tpu.memory_space<vmem>>[vector<16xi32>, vector<16xi32>], vector<16xf32>,
        %parallel_loop3A_401 = vector.broadcast %parallel_loop3A_334 : i32 to vector<16xi32>
        %parallel_loop3A_402 = arith.addi %shift_left3A_175, %parallel_loop3A_401 : vector<16xi32>
        %parallel_loop3A_403 = arith.constant 0 : i32
        %parallel_loop3A_404 = arith.constant 0 : i32
        %parallel_loop3A_405 = arith.constant 0 : i32
        %parallel_loop3A_406 = tpu.memref_slice %arg9[%parallel_loop3A_403, %parallel_loop3A_404, %parallel_loop3A_405] : memref<2x128x128xf32, #tpu.memory_space<vmem>> -> memref<1x128x128xf32, #tpu.memory_space<vmem>>
        %parallel_loop3A_407 = tpu.memref_squeeze %parallel_loop3A_406 : memref<1x128x128xf32, #tpu.memory_space<vmem>> -> memref<128x128xf32, #tpu.memory_space<vmem>>
        %parallel_loop3A_408 = tpu.vector_load_idx %parallel_loop3A_407[%add3A_178, %parallel_loop3A_402] : memref<128x128xf32, #tpu.memory_space<vmem>>[vector<16xi32>, vector<16xi32>], vector<16xf32>,
        %parallel_loop3A_409 = arith.constant 8.000000e+00 : f32
        %parallel_loop3A_410 = vector.broadcast %parallel_loop3A_409 : f32 to vector<16xf32>
        %parallel_loop3A_411 = arith.mulf %parallel_loop3A_352, %parallel_loop3A_410 : vector<16xf32>
        %parallel_loop3A_412 = arith.addf %parallel_loop3A_411, %parallel_loop3A_344 : vector<16xf32>
        %parallel_loop3A_413 = arith.constant 0 : i32
        %parallel_loop3A_414 = arith.index_cast %parallel_loop3A_413 : i32 to index
        %parallel_loop3A_415 = arith.index_cast %parallel_loop3A_334 : i32 to index
        %parallel_loop3A_416 = arith.constant 0 : index
        %parallel_loop3A_417 = tpu.vector_load %arg10[%parallel_loop3A_414, %parallel_loop3A_415, %parallel_loop3A_416] {strides = array<i32>} : memref<2x64x128xf32, #tpu.memory_space<vmem>>, vector<16xf32>,
        tpu.vector_store %arg10[%parallel_loop3A_414, %parallel_loop3A_415, %parallel_loop3A_416], %parallel_loop3A_412 {strides = array<i32>} : memref<2x64x128xf32, #tpu.memory_space<vmem>>, vector<16xf32>,
        %parallel_loop3A_418 = arith.constant 8.000000e+00 : f32
        %parallel_loop3A_419 = vector.broadcast %parallel_loop3A_418 : f32 to vector<16xf32>
        %parallel_loop3A_420 = arith.mulf %parallel_loop3A_360, %parallel_loop3A_419 : vector<16xf32>
        %parallel_loop3A_421 = arith.addf %parallel_loop3A_420, %parallel_loop3A_344 : vector<16xf32>
        %parallel_loop3A_422 = arith.constant 0 : i32
        %parallel_loop3A_423 = arith.index_cast %parallel_loop3A_422 : i32 to index
        %parallel_loop3A_424 = arith.index_cast %parallel_loop3A_334 : i32 to index
        %parallel_loop3A_425 = arith.constant 16 : index
        %parallel_loop3A_426 = tpu.vector_load %arg10[%parallel_loop3A_423, %parallel_loop3A_424, %parallel_loop3A_425] {strides = array<i32>} : memref<2x64x128xf32, #tpu.memory_space<vmem>>, vector<16xf32>,
        tpu.vector_store %arg10[%parallel_loop3A_423, %parallel_loop3A_424, %parallel_loop3A_425], %parallel_loop3A_421 {strides = array<i32>} : memref<2x64x128xf32, #tpu.memory_space<vmem>>, vector<16xf32>,
        %parallel_loop3A_427 = arith.constant 8.000000e+00 : f32
        %parallel_loop3A_428 = vector.broadcast %parallel_loop3A_427 : f32 to vector<16xf32>
        %parallel_loop3A_429 = arith.mulf %parallel_loop3A_368, %parallel_loop3A_428 : vector<16xf32>
        %parallel_loop3A_430 = arith.addf %parallel_loop3A_429, %parallel_loop3A_344 : vector<16xf32>
        %parallel_loop3A_431 = arith.constant 0 : i32
        %parallel_loop3A_432 = arith.index_cast %parallel_loop3A_431 : i32 to index
        %parallel_loop3A_433 = arith.index_cast %parallel_loop3A_334 : i32 to index
        %parallel_loop3A_434 = arith.constant 32 : index
        %parallel_loop3A_435 = tpu.vector_load %arg10[%parallel_loop3A_432, %parallel_loop3A_433, %parallel_loop3A_434] {strides = array<i32>} : memref<2x64x128xf32, #tpu.memory_space<vmem>>, vector<16xf32>,
        tpu.vector_store %arg10[%parallel_loop3A_432, %parallel_loop3A_433, %parallel_loop3A_434], %parallel_loop3A_430 {strides = array<i32>} : memref<2x64x128xf32, #tpu.memory_space<vmem>>, vector<16xf32>,
        %parallel_loop3A_436 = arith.constant 8.000000e+00 : f32
        %parallel_loop3A_437 = vector.broadcast %parallel_loop3A_436 : f32 to vector<16xf32>
        %parallel_loop3A_438 = arith.mulf %parallel_loop3A_376, %parallel_loop3A_437 : vector<16xf32>
        %parallel_loop3A_439 = arith.addf %parallel_loop3A_438, %parallel_loop3A_344 : vector<16xf32>
        %parallel_loop3A_440 = arith.constant 0 : i32
        %parallel_loop3A_441 = arith.index_cast %parallel_loop3A_440 : i32 to index
        %parallel_loop3A_442 = arith.index_cast %parallel_loop3A_334 : i32 to index
        %parallel_loop3A_443 = arith.constant 48 : index
        %parallel_loop3A_444 = tpu.vector_load %arg10[%parallel_loop3A_441, %parallel_loop3A_442, %parallel_loop3A_443] {strides = array<i32>} : memref<2x64x128xf32, #tpu.memory_space<vmem>>, vector<16xf32>,
        tpu.vector_store %arg10[%parallel_loop3A_441, %parallel_loop3A_442, %parallel_loop3A_443], %parallel_loop3A_439 {strides = array<i32>} : memref<2x64x128xf32, #tpu.memory_space<vmem>>, vector<16xf32>,
        %parallel_loop3A_445 = arith.constant 8.000000e+00 : f32
        %parallel_loop3A_446 = vector.broadcast %parallel_loop3A_445 : f32 to vector<16xf32>
        %parallel_loop3A_447 = arith.mulf %parallel_loop3A_384, %parallel_loop3A_446 : vector<16xf32>
        %parallel_loop3A_448 = arith.addf %parallel_loop3A_447, %parallel_loop3A_344 : vector<16xf32>
        %parallel_loop3A_449 = arith.constant 0 : i32
        %parallel_loop3A_450 = arith.index_cast %parallel_loop3A_449 : i32 to index
        %parallel_loop3A_451 = arith.index_cast %parallel_loop3A_334 : i32 to index
        %parallel_loop3A_452 = arith.constant 64 : index
        %parallel_loop3A_453 = tpu.vector_load %arg10[%parallel_loop3A_450, %parallel_loop3A_451, %parallel_loop3A_452] {strides = array<i32>} : memref<2x64x128xf32, #tpu.memory_space<vmem>>, vector<16xf32>,
        tpu.vector_store %arg10[%parallel_loop3A_450, %parallel_loop3A_451, %parallel_loop3A_452], %parallel_loop3A_448 {strides = array<i32>} : memref<2x64x128xf32, #tpu.memory_space<vmem>>, vector<16xf32>,
        %parallel_loop3A_454 = arith.constant 8.000000e+00 : f32
        %parallel_loop3A_455 = vector.broadcast %parallel_loop3A_454 : f32 to vector<16xf32>
        %parallel_loop3A_456 = arith.mulf %parallel_loop3A_392, %parallel_loop3A_455 : vector<16xf32>
        %parallel_loop3A_457 = arith.addf %parallel_loop3A_456, %parallel_loop3A_344 : vector<16xf32>
        %parallel_loop3A_458 = arith.constant 0 : i32
        %parallel_loop3A_459 = arith.index_cast %parallel_loop3A_458 : i32 to index
        %parallel_loop3A_460 = arith.index_cast %parallel_loop3A_334 : i32 to index
        %parallel_loop3A_461 = arith.constant 80 : index
        %parallel_loop3A_462 = tpu.vector_load %arg10[%parallel_loop3A_459, %parallel_loop3A_460, %parallel_loop3A_461] {strides = array<i32>} : memref<2x64x128xf32, #tpu.memory_space<vmem>>, vector<16xf32>,
        tpu.vector_store %arg10[%parallel_loop3A_459, %parallel_loop3A_460, %parallel_loop3A_461], %parallel_loop3A_457 {strides = array<i32>} : memref<2x64x128xf32, #tpu.memory_space<vmem>>, vector<16xf32>,
        %parallel_loop3A_463 = arith.constant 8.000000e+00 : f32
        %parallel_loop3A_464 = vector.broadcast %parallel_loop3A_463 : f32 to vector<16xf32>
        %parallel_loop3A_465 = arith.mulf %parallel_loop3A_400, %parallel_loop3A_464 : vector<16xf32>
        %parallel_loop3A_466 = arith.addf %parallel_loop3A_465, %parallel_loop3A_344 : vector<16xf32>
        %parallel_loop3A_467 = arith.constant 0 : i32
        %parallel_loop3A_468 = arith.index_cast %parallel_loop3A_467 : i32 to index
        %parallel_loop3A_469 = arith.index_cast %parallel_loop3A_334 : i32 to index
        %parallel_loop3A_470 = arith.constant 96 : index
        %parallel_loop3A_471 = tpu.vector_load %arg10[%parallel_loop3A_468, %parallel_loop3A_469, %parallel_loop3A_470] {strides = array<i32>} : memref<2x64x128xf32, #tpu.memory_space<vmem>>, vector<16xf32>,
        tpu.vector_store %arg10[%parallel_loop3A_468, %parallel_loop3A_469, %parallel_loop3A_470], %parallel_loop3A_466 {strides = array<i32>} : memref<2x64x128xf32, #tpu.memory_space<vmem>>, vector<16xf32>,
        %parallel_loop3A_472 = arith.constant 8.000000e+00 : f32
        %parallel_loop3A_473 = vector.broadcast %parallel_loop3A_472 : f32 to vector<16xf32>
        %parallel_loop3A_474 = arith.mulf %parallel_loop3A_408, %parallel_loop3A_473 : vector<16xf32>
        %parallel_loop3A_475 = arith.addf %parallel_loop3A_474, %parallel_loop3A_344 : vector<16xf32>
        %parallel_loop3A_476 = arith.constant 0 : i32
        %parallel_loop3A_477 = arith.index_cast %parallel_loop3A_476 : i32 to index
        %parallel_loop3A_478 = arith.index_cast %parallel_loop3A_334 : i32 to index
        %parallel_loop3A_479 = arith.constant 112 : index
        %parallel_loop3A_480 = tpu.vector_load %arg10[%parallel_loop3A_477, %parallel_loop3A_478, %parallel_loop3A_479] {strides = array<i32>} : memref<2x64x128xf32, #tpu.memory_space<vmem>>, vector<16xf32>,
        tpu.vector_store %arg10[%parallel_loop3A_477, %parallel_loop3A_478, %parallel_loop3A_479], %parallel_loop3A_475 {strides = array<i32>} : memref<2x64x128xf32, #tpu.memory_space<vmem>>, vector<16xf32>,
      } {sc.loop_unroll_factor = 4 : i64, sc.parallel_access}
      %dma_start3A_182 = arith.constant 0 : i32
      %dma_start3A_183 = arith.constant 0 : i32
      %dma_start3A_184 = arith.constant 0 : i32
      %dma_start3A_185 = tpu.memref_slice %arg10[%dma_start3A_182, %dma_start3A_183, %dma_start3A_184] : memref<2x64x128xf32, #tpu.memory_space<vmem>> -> memref<1x64x128xf32, #tpu.memory_space<vmem>>
      %dma_start3A_186 = tpu.memref_squeeze %dma_start3A_185 : memref<1x64x128xf32, #tpu.memory_space<vmem>> -> memref<64x128xf32, #tpu.memory_space<vmem>>
      %dma_start3A_187 = arith.constant 0 : i32
      %dma_start3A_188 = tpu.memref_slice %arg5[%mul3A_54, %dma_start3A_187, %mul3A_2] : memref<200x64x4096xf32, #tpu.memory_space<hbm>> -> memref<1x64x128xf32, #tpu.memory_space<hbm>>
      %dma_start3A_189 = tpu.memref_squeeze %dma_start3A_188 : memref<1x64x128xf32, #tpu.memory_space<hbm>> -> memref<64x128xf32, #tpu.memory_space<hbm>>
      %dma_start3A_190 = arith.constant 0 : i32
      %dma_start3A_191 = tpu.memref_slice %arg5[%mul3A_54, %dma_start3A_190, %mul3A_2] : memref<200x64x4096xf32, #tpu.memory_space<hbm>> -> memref<1x64x128xf32, #tpu.memory_space<hbm>>
      %dma_start3A_192 = tpu.memref_squeeze %dma_start3A_191 : memref<1x64x128xf32, #tpu.memory_space<hbm>> -> memref<64x128xf32, #tpu.memory_space<hbm>>
      %dma_start3A_193 = arith.constant 0 : i32
      %dma_start3A_194 = arith.constant 0 : i32
      %dma_start3A_195 = tpu.memref_slice %arg10[%dma_start3A_182, %dma_start3A_193, %dma_start3A_194] : memref<2x64x128xf32, #tpu.memory_space<vmem>> -> memref<1x64x128xf32, #tpu.memory_space<vmem>>
      %dma_start3A_196 = tpu.memref_squeeze %dma_start3A_195 : memref<1x64x128xf32, #tpu.memory_space<vmem>> -> memref<64x128xf32, #tpu.memory_space<vmem>>
      tpu.enqueue_dma source(%dma_start3A_196 : memref<64x128xf32, #tpu.memory_space<vmem>>) target(%dma_start3A_192 : memref<64x128xf32, #tpu.memory_space<hbm>>) target_semaphore(%arg13 : memref<!tpu.dma_semaphore, #tpu.memory_space<semaphore_mem>>)
      %add3A_197 = arith.constant 1 : i32
      %add3A_198 = arith.addi %scan3A_52, %add3A_197 : i32
      %lt3A = arith.constant 100 : i32
      %lt3A_199 = arith.cmpi slt, %add3A_198, %lt3A : i32
      %convert_element_type3A_200 = arith.extui %lt3A_199 : i1 to i32
      %cond3A_201 = arith.constant 0 : i32
      %cond3A_202 = arith.cmpi ne, %convert_element_type3A_200, %cond3A_201 : i32
      scf.if %cond3A_202 {
        %add3A_334 = arith.constant 2 : i32
        %add3A_335 = arith.addi %mul3A_54, %add3A_334 : i32
        %parallel_loop3A_336 = arith.constant 0 : i32
        %parallel_loop3A_337 = arith.constant 8 : i32
        %parallel_loop3A_338 = arith.constant 1 : i32
        scf.for %parallel_loop3A_351 = %parallel_loop3A_336 to %parallel_loop3A_337 step %parallel_loop3A_338  : i32 {
          %parallel_loop3A_352 = arith.constant 16 : i32
          %parallel_loop3A_353 = arith.muli %parallel_loop3A_351, %parallel_loop3A_352 : i32
          %parallel_loop3A_354 = arith.index_cast %add3A_335 : i32 to index
          %parallel_loop3A_355 = arith.index_cast %parallel_loop3A_353 : i32 to index
          %parallel_loop3A_356 = tpu.vector_load %arg6[%parallel_loop3A_354, %parallel_loop3A_355] {strides = array<i32>} : memref<200x128xi32, #tpu.memory_space<vmem>>, vector<16xi32>,
          %parallel_loop3A_357 = arith.constant 1 : i32
          %parallel_loop3A_358 = vector.broadcast %parallel_loop3A_357 : i32 to vector<16xi32>
          %parallel_loop3A_359 = arith.shrui %parallel_loop3A_356, %parallel_loop3A_358 : vector<16xi32>
          %parallel_loop3A_360 = arith.constant 16 : i32
          %parallel_loop3A_361 = arith.muli %parallel_loop3A_351, %parallel_loop3A_360 : i32
          %parallel_loop3A_362 = arith.constant 0 : i32
          %parallel_loop3A_363 = arith.index_cast %parallel_loop3A_362 : i32 to index
          %parallel_loop3A_364 = arith.index_cast %parallel_loop3A_361 : i32 to index
          %parallel_loop3A_365 = tpu.vector_load %arg8[%parallel_loop3A_363, %parallel_loop3A_364] {strides = array<i32>} : memref<2x128xi32, #tpu.memory_space<vmem>>, vector<16xi32>,
          tpu.vector_store %arg8[%parallel_loop3A_363, %parallel_loop3A_364], %parallel_loop3A_359 {strides = array<i32>} : memref<2x128xi32, #tpu.memory_space<vmem>>, vector<16xi32>,
        } {sc.loop_unroll_factor = 4 : i64, sc.parallel_access}
        %dma_start3A_339 = arith.constant 0 : i32
        %dma_start3A_340 = arith.constant 0 : i32
        %dma_start3A_341 = arith.constant 0 : i32
        %dma_start3A_342 = arith.constant 0 : i32
        %dma_start3A_343 = tpu.memref_slice %arg9[%dma_start3A_340, %dma_start3A_341, %dma_start3A_342] : memref<2x128x128xf32, #tpu.memory_space<vmem>> -> memref<1x128x128xf32, #tpu.memory_space<vmem>>
        %dma_start3A_344 = tpu.memref_squeeze %dma_start3A_343 : memref<1x128x128xf32, #tpu.memory_space<vmem>> -> memref<128x128xf32, #tpu.memory_space<vmem>>
        %dma_start3A_345 = arith.constant 0 : i32
        %dma_start3A_346 = tpu.memref_slice %arg8[%dma_start3A_339, %dma_start3A_345] : memref<2x128xi32, #tpu.memory_space<vmem>> -> memref<1x128xi32, #tpu.memory_space<vmem>>
        %dma_start3A_347 = tpu.memref_squeeze %dma_start3A_346 : memref<1x128xi32, #tpu.memory_space<vmem>> -> memref<128xi32, #tpu.memory_space<vmem>>
        %dma_start3A_348 = arith.constant 0 : i32
        %dma_start3A_349 = arith.constant 0 : i32
        %dma_start3A_350 = tpu.memref_slice %arg3[%dma_start3A_348, %dma_start3A_349] : memref<500000x128xf32, #tpu.memory_space<hbm>> -> memref<500000x128xf32, #tpu.memory_space<hbm>>
        tpu.enqueue_indirect_dma source(%dma_start3A_350 : memref<500000x128xf32, #tpu.memory_space<hbm>>) target(%dma_start3A_344 : memref<128x128xf32, #tpu.memory_space<vmem>>) offsets(%dma_start3A_347 : memref<128xi32, #tpu.memory_space<vmem>>) semaphore(%arg11 : memref<!tpu.dma_semaphore, #tpu.memory_space<semaphore_mem>>)
      } else {
      }
      %dma_wait3A_203 = arith.constant 1 : i32
      %dma_wait3A_204 = arith.constant 1 : i32
      %dma_wait3A_205 = arith.constant 0 : i32
      %dma_wait3A_206 = arith.constant 0 : i32
      %dma_wait3A_207 = tpu.memref_slice %arg9[%dma_wait3A_204, %dma_wait3A_205, %dma_wait3A_206] : memref<2x128x128xf32, #tpu.memory_space<vmem>> -> memref<1x128x128xf32, #tpu.memory_space<vmem>>
      %dma_wait3A_208 = tpu.memref_squeeze %dma_wait3A_207 : memref<1x128x128xf32, #tpu.memory_space<vmem>> -> memref<128x128xf32, #tpu.memory_space<vmem>>
      %dma_wait3A_209 = arith.constant 0 : i32
      %dma_wait3A_210 = tpu.memref_slice %arg8[%dma_wait3A_203, %dma_wait3A_209] : memref<2x128xi32, #tpu.memory_space<vmem>> -> memref<1x128xi32, #tpu.memory_space<vmem>>
      %dma_wait3A_211 = tpu.memref_squeeze %dma_wait3A_210 : memref<1x128xi32, #tpu.memory_space<vmem>> -> memref<128xi32, #tpu.memory_space<vmem>>
      %dma_wait3A_212 = arith.constant 0 : i32
      %dma_wait3A_213 = arith.constant 0 : i32
      %dma_wait3A_214 = tpu.memref_slice %arg3[%dma_wait3A_212, %dma_wait3A_213] : memref<500000x128xf32, #tpu.memory_space<hbm>> -> memref<500000x128xf32, #tpu.memory_space<hbm>>
      tpu.wait_indirect_dma semaphore(%arg12 : memref<!tpu.dma_semaphore, #tpu.memory_space<semaphore_mem>>) src(%dma_wait3A_214 : memref<500000x128xf32, #tpu.memory_space<hbm>>) dst(%dma_wait3A_208 : memref<128x128xf32, #tpu.memory_space<vmem>>)
      %gt3A_215 = arith.constant 0 : i32
      %gt3A_216 = arith.cmpi sgt, %scan3A_52, %gt3A_215 : i32
      %convert_element_type3A_217 = arith.extui %gt3A_216 : i1 to i32
      %cond3A_218 = arith.constant 0 : i32
      %cond3A_219 = arith.cmpi ne, %convert_element_type3A_217, %cond3A_218 : i32
      scf.if %cond3A_219 {
        %dma_wait3A_334 = arith.constant 1 : i32
        %dma_wait3A_335 = arith.constant 0 : i32
        %dma_wait3A_336 = arith.constant 0 : i32
        %dma_wait3A_337 = tpu.memref_slice %arg10[%dma_wait3A_334, %dma_wait3A_335, %dma_wait3A_336] : memref<2x64x128xf32, #tpu.memory_space<vmem>> -> memref<1x64x128xf32, #tpu.memory_space<vmem>>
        %dma_wait3A_338 = tpu.memref_squeeze %dma_wait3A_337 : memref<1x64x128xf32, #tpu.memory_space<vmem>> -> memref<64x128xf32, #tpu.memory_space<vmem>>
        %dma_wait3A_339 = arith.constant 0 : i32
        %dma_wait3A_340 = tpu.memref_slice %arg5[%add3A_56, %dma_wait3A_339, %mul3A_2] : memref<200x64x4096xf32, #tpu.memory_space<hbm>> -> memref<1x64x128xf32, #tpu.memory_space<hbm>>
        %dma_wait3A_341 = tpu.memref_squeeze %dma_wait3A_340 : memref<1x64x128xf32, #tpu.memory_space<hbm>> -> memref<64x128xf32, #tpu.memory_space<hbm>>
        %dma_wait3A_342 = arith.constant 0 : i32
        %dma_wait3A_343 = tpu.memref_slice %arg5[%add3A_56, %dma_wait3A_342, %mul3A_2] : memref<200x64x4096xf32, #tpu.memory_space<hbm>> -> memref<1x64x128xf32, #tpu.memory_space<hbm>>
        %dma_wait3A_344 = tpu.memref_squeeze %dma_wait3A_343 : memref<1x64x128xf32, #tpu.memory_space<hbm>> -> memref<64x128xf32, #tpu.memory_space<hbm>>
        %dma_wait3A_345 = arith.constant 0 : i32
        %dma_wait3A_346 = arith.constant 0 : i32
        %dma_wait3A_347 = tpu.memref_slice %arg10[%dma_wait3A_334, %dma_wait3A_345, %dma_wait3A_346] : memref<2x64x128xf32, #tpu.memory_space<vmem>> -> memref<1x64x128xf32, #tpu.memory_space<vmem>>
        %dma_wait3A_348 = tpu.memref_squeeze %dma_wait3A_347 : memref<1x64x128xf32, #tpu.memory_space<vmem>> -> memref<64x128xf32, #tpu.memory_space<vmem>>
        tpu.wait_dma2 semaphore(%arg14 : memref<!tpu.dma_semaphore, #tpu.memory_space<semaphore_mem>>) src(%dma_wait3A_348 : memref<64x128xf32, #tpu.memory_space<vmem>>) dst(%dma_wait3A_344 : memref<64x128xf32, #tpu.memory_space<hbm>>)
      } else {
      }
      %get3A_220 = arith.index_cast %add3A_56 : i32 to index
      %get3A_221 = arith.constant 0 : index
      %get3A_222 = tpu.vector_load %arg6[%get3A_220, %get3A_221] {strides = array<i32>} : memref<200x128xi32, #tpu.memory_space<vmem>>, vector<16xi32>,
      %and3A_223 = arith.constant 1 : i32
      %and3A_224 = vector.broadcast %and3A_223 : i32 to vector<16xi32>
      %and3A_225 = arith.andi %get3A_222, %and3A_224 : vector<16xi32>
      %shift_left3A_226 = arith.constant 6 : i32
      %shift_left3A_227 = vector.broadcast %shift_left3A_226 : i32 to vector<16xi32>
      %shift_left3A_228 = arith.shli %and3A_225, %shift_left3A_227 : vector<16xi32>
      %add3A_229 = arith.constant 0 : i32
      %add3A_230 = vector.broadcast %add3A_229 : i32 to vector<16xi32>
      %add3A_231 = arith.addi %iota3A, %add3A_230 : vector<16xi32>
      %get3A_232 = arith.index_cast %add3A_56 : i32 to index
      %get3A_233 = arith.constant 16 : index
      %get3A_234 = tpu.vector_load %arg6[%get3A_232, %get3A_233] {strides = array<i32>} : memref<200x128xi32, #tpu.memory_space<vmem>>, vector<16xi32>,
      %and3A_235 = arith.constant 1 : i32
      %and3A_236 = vector.broadcast %and3A_235 : i32 to vector<16xi32>
      %and3A_237 = arith.andi %get3A_234, %and3A_236 : vector<16xi32>
      %shift_left3A_238 = arith.constant 6 : i32
      %shift_left3A_239 = vector.broadcast %shift_left3A_238 : i32 to vector<16xi32>
      %shift_left3A_240 = arith.shli %and3A_237, %shift_left3A_239 : vector<16xi32>
      %add3A_241 = arith.constant 16 : i32
      %add3A_242 = vector.broadcast %add3A_241 : i32 to vector<16xi32>
      %add3A_243 = arith.addi %iota3A, %add3A_242 : vector<16xi32>
      %get3A_244 = arith.index_cast %add3A_56 : i32 to index
      %get3A_245 = arith.constant 32 : index
      %get3A_246 = tpu.vector_load %arg6[%get3A_244, %get3A_245] {strides = array<i32>} : memref<200x128xi32, #tpu.memory_space<vmem>>, vector<16xi32>,
      %and3A_247 = arith.constant 1 : i32
      %and3A_248 = vector.broadcast %and3A_247 : i32 to vector<16xi32>
      %and3A_249 = arith.andi %get3A_246, %and3A_248 : vector<16xi32>
      %shift_left3A_250 = arith.constant 6 : i32
      %shift_left3A_251 = vector.broadcast %shift_left3A_250 : i32 to vector<16xi32>
      %shift_left3A_252 = arith.shli %and3A_249, %shift_left3A_251 : vector<16xi32>
      %add3A_253 = arith.constant 32 : i32
      %add3A_254 = vector.broadcast %add3A_253 : i32 to vector<16xi32>
      %add3A_255 = arith.addi %iota3A, %add3A_254 : vector<16xi32>
      %get3A_256 = arith.index_cast %add3A_56 : i32 to index
      %get3A_257 = arith.constant 48 : index
      %get3A_258 = tpu.vector_load %arg6[%get3A_256, %get3A_257] {strides = array<i32>} : memref<200x128xi32, #tpu.memory_space<vmem>>, vector<16xi32>,
      %and3A_259 = arith.constant 1 : i32
      %and3A_260 = vector.broadcast %and3A_259 : i32 to vector<16xi32>
      %and3A_261 = arith.andi %get3A_258, %and3A_260 : vector<16xi32>
      %shift_left3A_262 = arith.constant 6 : i32
      %shift_left3A_263 = vector.broadcast %shift_left3A_262 : i32 to vector<16xi32>
      %shift_left3A_264 = arith.shli %and3A_261, %shift_left3A_263 : vector<16xi32>
      %add3A_265 = arith.constant 48 : i32
      %add3A_266 = vector.broadcast %add3A_265 : i32 to vector<16xi32>
      %add3A_267 = arith.addi %iota3A, %add3A_266 : vector<16xi32>
      %get3A_268 = arith.index_cast %add3A_56 : i32 to index
      %get3A_269 = arith.constant 64 : index
      %get3A_270 = tpu.vector_load %arg6[%get3A_268, %get3A_269] {strides = array<i32>} : memref<200x128xi32, #tpu.memory_space<vmem>>, vector<16xi32>,
      %and3A_271 = arith.constant 1 : i32
      %and3A_272 = vector.broadcast %and3A_271 : i32 to vector<16xi32>
      %and3A_273 = arith.andi %get3A_270, %and3A_272 : vector<16xi32>
      %shift_left3A_274 = arith.constant 6 : i32
      %shift_left3A_275 = vector.broadcast %shift_left3A_274 : i32 to vector<16xi32>
      %shift_left3A_276 = arith.shli %and3A_273, %shift_left3A_275 : vector<16xi32>
      %add3A_277 = arith.constant 64 : i32
      %add3A_278 = vector.broadcast %add3A_277 : i32 to vector<16xi32>
      %add3A_279 = arith.addi %iota3A, %add3A_278 : vector<16xi32>
      %get3A_280 = arith.index_cast %add3A_56 : i32 to index
      %get3A_281 = arith.constant 80 : index
      %get3A_282 = tpu.vector_load %arg6[%get3A_280, %get3A_281] {strides = array<i32>} : memref<200x128xi32, #tpu.memory_space<vmem>>, vector<16xi32>,
      %and3A_283 = arith.constant 1 : i32
      %and3A_284 = vector.broadcast %and3A_283 : i32 to vector<16xi32>
      %and3A_285 = arith.andi %get3A_282, %and3A_284 : vector<16xi32>
      %shift_left3A_286 = arith.constant 6 : i32
      %shift_left3A_287 = vector.broadcast %shift_left3A_286 : i32 to vector<16xi32>
      %shift_left3A_288 = arith.shli %and3A_285, %shift_left3A_287 : vector<16xi32>
      %add3A_289 = arith.constant 80 : i32
      %add3A_290 = vector.broadcast %add3A_289 : i32 to vector<16xi32>
      %add3A_291 = arith.addi %iota3A, %add3A_290 : vector<16xi32>
      %get3A_292 = arith.index_cast %add3A_56 : i32 to index
      %get3A_293 = arith.constant 96 : index
      %get3A_294 = tpu.vector_load %arg6[%get3A_292, %get3A_293] {strides = array<i32>} : memref<200x128xi32, #tpu.memory_space<vmem>>, vector<16xi32>,
      %and3A_295 = arith.constant 1 : i32
      %and3A_296 = vector.broadcast %and3A_295 : i32 to vector<16xi32>
      %and3A_297 = arith.andi %get3A_294, %and3A_296 : vector<16xi32>
      %shift_left3A_298 = arith.constant 6 : i32
      %shift_left3A_299 = vector.broadcast %shift_left3A_298 : i32 to vector<16xi32>
      %shift_left3A_300 = arith.shli %and3A_297, %shift_left3A_299 : vector<16xi32>
      %add3A_301 = arith.constant 96 : i32
      %add3A_302 = vector.broadcast %add3A_301 : i32 to vector<16xi32>
      %add3A_303 = arith.addi %iota3A, %add3A_302 : vector<16xi32>
      %get3A_304 = arith.index_cast %add3A_56 : i32 to index
      %get3A_305 = arith.constant 112 : index
      %get3A_306 = tpu.vector_load %arg6[%get3A_304, %get3A_305] {strides = array<i32>} : memref<200x128xi32, #tpu.memory_space<vmem>>, vector<16xi32>,
      %and3A_307 = arith.constant 1 : i32
      %and3A_308 = vector.broadcast %and3A_307 : i32 to vector<16xi32>
      %and3A_309 = arith.andi %get3A_306, %and3A_308 : vector<16xi32>
      %shift_left3A_310 = arith.constant 6 : i32
      %shift_left3A_311 = vector.broadcast %shift_left3A_310 : i32 to vector<16xi32>
      %shift_left3A_312 = arith.shli %and3A_309, %shift_left3A_311 : vector<16xi32>
      %add3A_313 = arith.constant 112 : i32
      %add3A_314 = vector.broadcast %add3A_313 : i32 to vector<16xi32>
      %add3A_315 = arith.addi %iota3A, %add3A_314 : vector<16xi32>
      %parallel_loop3A_316 = arith.constant 0 : i32
      %parallel_loop3A_317 = arith.constant 64 : i32
      %parallel_loop3A_318 = arith.constant 1 : i32
      scf.for %parallel_loop3A_334 = %parallel_loop3A_316 to %parallel_loop3A_317 step %parallel_loop3A_318  : i32 {
        %parallel_loop3A_335 = arith.constant 64 : i32
        %parallel_loop3A_336 = arith.muli %add3A_56, %parallel_loop3A_335 : i32
        %parallel_loop3A_337 = arith.addi %parallel_loop3A_336, %parallel_loop3A_334 : i32
        %parallel_loop3A_338 = arith.constant 7 : i32
        %parallel_loop3A_339 = arith.shrui %parallel_loop3A_337, %parallel_loop3A_338 : i32
        %parallel_loop3A_340 = vector.broadcast %parallel_loop3A_339 : i32 to vector<16xi32>
        %parallel_loop3A_341 = arith.constant 127 : i32
        %parallel_loop3A_342 = arith.andi %parallel_loop3A_337, %parallel_loop3A_341 : i32
        %parallel_loop3A_343 = vector.broadcast %parallel_loop3A_342 : i32 to vector<16xi32>
        %parallel_loop3A_344 = tpu.vector_load_idx %arg7[%parallel_loop3A_340, %parallel_loop3A_343] : memref<100x128xf32, #tpu.memory_space<vmem>>[vector<16xi32>, vector<16xi32>], vector<16xf32>,
        %parallel_loop3A_345 = vector.broadcast %parallel_loop3A_334 : i32 to vector<16xi32>
        %parallel_loop3A_346 = arith.addi %shift_left3A_228, %parallel_loop3A_345 : vector<16xi32>
        %parallel_loop3A_347 = arith.constant 1 : i32
        %parallel_loop3A_348 = arith.constant 0 : i32
        %parallel_loop3A_349 = arith.constant 0 : i32
        %parallel_loop3A_350 = tpu.memref_slice %arg9[%parallel_loop3A_347, %parallel_loop3A_348, %parallel_loop3A_349] : memref<2x128x128xf32, #tpu.memory_space<vmem>> -> memref<1x128x128xf32, #tpu.memory_space<vmem>>
        %parallel_loop3A_351 = tpu.memref_squeeze %parallel_loop3A_350 : memref<1x128x128xf32, #tpu.memory_space<vmem>> -> memref<128x128xf32, #tpu.memory_space<vmem>>
        %parallel_loop3A_352 = tpu.vector_load_idx %parallel_loop3A_351[%add3A_231, %parallel_loop3A_346] : memref<128x128xf32, #tpu.memory_space<vmem>>[vector<16xi32>, vector<16xi32>], vector<16xf32>,
        %parallel_loop3A_353 = vector.broadcast %parallel_loop3A_334 : i32 to vector<16xi32>
        %parallel_loop3A_354 = arith.addi %shift_left3A_240, %parallel_loop3A_353 : vector<16xi32>
        %parallel_loop3A_355 = arith.constant 1 : i32
        %parallel_loop3A_356 = arith.constant 0 : i32
        %parallel_loop3A_357 = arith.constant 0 : i32
        %parallel_loop3A_358 = tpu.memref_slice %arg9[%parallel_loop3A_355, %parallel_loop3A_356, %parallel_loop3A_357] : memref<2x128x128xf32, #tpu.memory_space<vmem>> -> memref<1x128x128xf32, #tpu.memory_space<vmem>>
        %parallel_loop3A_359 = tpu.memref_squeeze %parallel_loop3A_358 : memref<1x128x128xf32, #tpu.memory_space<vmem>> -> memref<128x128xf32, #tpu.memory_space<vmem>>
        %parallel_loop3A_360 = tpu.vector_load_idx %parallel_loop3A_359[%add3A_243, %parallel_loop3A_354] : memref<128x128xf32, #tpu.memory_space<vmem>>[vector<16xi32>, vector<16xi32>], vector<16xf32>,
        %parallel_loop3A_361 = vector.broadcast %parallel_loop3A_334 : i32 to vector<16xi32>
        %parallel_loop3A_362 = arith.addi %shift_left3A_252, %parallel_loop3A_361 : vector<16xi32>
        %parallel_loop3A_363 = arith.constant 1 : i32
        %parallel_loop3A_364 = arith.constant 0 : i32
        %parallel_loop3A_365 = arith.constant 0 : i32
        %parallel_loop3A_366 = tpu.memref_slice %arg9[%parallel_loop3A_363, %parallel_loop3A_364, %parallel_loop3A_365] : memref<2x128x128xf32, #tpu.memory_space<vmem>> -> memref<1x128x128xf32, #tpu.memory_space<vmem>>
        %parallel_loop3A_367 = tpu.memref_squeeze %parallel_loop3A_366 : memref<1x128x128xf32, #tpu.memory_space<vmem>> -> memref<128x128xf32, #tpu.memory_space<vmem>>
        %parallel_loop3A_368 = tpu.vector_load_idx %parallel_loop3A_367[%add3A_255, %parallel_loop3A_362] : memref<128x128xf32, #tpu.memory_space<vmem>>[vector<16xi32>, vector<16xi32>], vector<16xf32>,
        %parallel_loop3A_369 = vector.broadcast %parallel_loop3A_334 : i32 to vector<16xi32>
        %parallel_loop3A_370 = arith.addi %shift_left3A_264, %parallel_loop3A_369 : vector<16xi32>
        %parallel_loop3A_371 = arith.constant 1 : i32
        %parallel_loop3A_372 = arith.constant 0 : i32
        %parallel_loop3A_373 = arith.constant 0 : i32
        %parallel_loop3A_374 = tpu.memref_slice %arg9[%parallel_loop3A_371, %parallel_loop3A_372, %parallel_loop3A_373] : memref<2x128x128xf32, #tpu.memory_space<vmem>> -> memref<1x128x128xf32, #tpu.memory_space<vmem>>
        %parallel_loop3A_375 = tpu.memref_squeeze %parallel_loop3A_374 : memref<1x128x128xf32, #tpu.memory_space<vmem>> -> memref<128x128xf32, #tpu.memory_space<vmem>>
        %parallel_loop3A_376 = tpu.vector_load_idx %parallel_loop3A_375[%add3A_267, %parallel_loop3A_370] : memref<128x128xf32, #tpu.memory_space<vmem>>[vector<16xi32>, vector<16xi32>], vector<16xf32>,
        %parallel_loop3A_377 = vector.broadcast %parallel_loop3A_334 : i32 to vector<16xi32>
        %parallel_loop3A_378 = arith.addi %shift_left3A_276, %parallel_loop3A_377 : vector<16xi32>
        %parallel_loop3A_379 = arith.constant 1 : i32
        %parallel_loop3A_380 = arith.constant 0 : i32
        %parallel_loop3A_381 = arith.constant 0 : i32
        %parallel_loop3A_382 = tpu.memref_slice %arg9[%parallel_loop3A_379, %parallel_loop3A_380, %parallel_loop3A_381] : memref<2x128x128xf32, #tpu.memory_space<vmem>> -> memref<1x128x128xf32, #tpu.memory_space<vmem>>
        %parallel_loop3A_383 = tpu.memref_squeeze %parallel_loop3A_382 : memref<1x128x128xf32, #tpu.memory_space<vmem>> -> memref<128x128xf32, #tpu.memory_space<vmem>>
        %parallel_loop3A_384 = tpu.vector_load_idx %parallel_loop3A_383[%add3A_279, %parallel_loop3A_378] : memref<128x128xf32, #tpu.memory_space<vmem>>[vector<16xi32>, vector<16xi32>], vector<16xf32>,
        %parallel_loop3A_385 = vector.broadcast %parallel_loop3A_334 : i32 to vector<16xi32>
        %parallel_loop3A_386 = arith.addi %shift_left3A_288, %parallel_loop3A_385 : vector<16xi32>
        %parallel_loop3A_387 = arith.constant 1 : i32
        %parallel_loop3A_388 = arith.constant 0 : i32
        %parallel_loop3A_389 = arith.constant 0 : i32
        %parallel_loop3A_390 = tpu.memref_slice %arg9[%parallel_loop3A_387, %parallel_loop3A_388, %parallel_loop3A_389] : memref<2x128x128xf32, #tpu.memory_space<vmem>> -> memref<1x128x128xf32, #tpu.memory_space<vmem>>
        %parallel_loop3A_391 = tpu.memref_squeeze %parallel_loop3A_390 : memref<1x128x128xf32, #tpu.memory_space<vmem>> -> memref<128x128xf32, #tpu.memory_space<vmem>>
        %parallel_loop3A_392 = tpu.vector_load_idx %parallel_loop3A_391[%add3A_291, %parallel_loop3A_386] : memref<128x128xf32, #tpu.memory_space<vmem>>[vector<16xi32>, vector<16xi32>], vector<16xf32>,
        %parallel_loop3A_393 = vector.broadcast %parallel_loop3A_334 : i32 to vector<16xi32>
        %parallel_loop3A_394 = arith.addi %shift_left3A_300, %parallel_loop3A_393 : vector<16xi32>
        %parallel_loop3A_395 = arith.constant 1 : i32
        %parallel_loop3A_396 = arith.constant 0 : i32
        %parallel_loop3A_397 = arith.constant 0 : i32
        %parallel_loop3A_398 = tpu.memref_slice %arg9[%parallel_loop3A_395, %parallel_loop3A_396, %parallel_loop3A_397] : memref<2x128x128xf32, #tpu.memory_space<vmem>> -> memref<1x128x128xf32, #tpu.memory_space<vmem>>
        %parallel_loop3A_399 = tpu.memref_squeeze %parallel_loop3A_398 : memref<1x128x128xf32, #tpu.memory_space<vmem>> -> memref<128x128xf32, #tpu.memory_space<vmem>>
        %parallel_loop3A_400 = tpu.vector_load_idx %parallel_loop3A_399[%add3A_303, %parallel_loop3A_394] : memref<128x128xf32, #tpu.memory_space<vmem>>[vector<16xi32>, vector<16xi32>], vector<16xf32>,
        %parallel_loop3A_401 = vector.broadcast %parallel_loop3A_334 : i32 to vector<16xi32>
        %parallel_loop3A_402 = arith.addi %shift_left3A_312, %parallel_loop3A_401 : vector<16xi32>
        %parallel_loop3A_403 = arith.constant 1 : i32
        %parallel_loop3A_404 = arith.constant 0 : i32
        %parallel_loop3A_405 = arith.constant 0 : i32
        %parallel_loop3A_406 = tpu.memref_slice %arg9[%parallel_loop3A_403, %parallel_loop3A_404, %parallel_loop3A_405] : memref<2x128x128xf32, #tpu.memory_space<vmem>> -> memref<1x128x128xf32, #tpu.memory_space<vmem>>
        %parallel_loop3A_407 = tpu.memref_squeeze %parallel_loop3A_406 : memref<1x128x128xf32, #tpu.memory_space<vmem>> -> memref<128x128xf32, #tpu.memory_space<vmem>>
        %parallel_loop3A_408 = tpu.vector_load_idx %parallel_loop3A_407[%add3A_315, %parallel_loop3A_402] : memref<128x128xf32, #tpu.memory_space<vmem>>[vector<16xi32>, vector<16xi32>], vector<16xf32>,
        %parallel_loop3A_409 = arith.constant 8.000000e+00 : f32
        %parallel_loop3A_410 = vector.broadcast %parallel_loop3A_409 : f32 to vector<16xf32>
        %parallel_loop3A_411 = arith.mulf %parallel_loop3A_352, %parallel_loop3A_410 : vector<16xf32>
        %parallel_loop3A_412 = arith.addf %parallel_loop3A_411, %parallel_loop3A_344 : vector<16xf32>
        %parallel_loop3A_413 = arith.constant 1 : i32
        %parallel_loop3A_414 = arith.index_cast %parallel_loop3A_413 : i32 to index
        %parallel_loop3A_415 = arith.index_cast %parallel_loop3A_334 : i32 to index
        %parallel_loop3A_416 = arith.constant 0 : index
        %parallel_loop3A_417 = tpu.vector_load %arg10[%parallel_loop3A_414, %parallel_loop3A_415, %parallel_loop3A_416] {strides = array<i32>} : memref<2x64x128xf32, #tpu.memory_space<vmem>>, vector<16xf32>,
        tpu.vector_store %arg10[%parallel_loop3A_414, %parallel_loop3A_415, %parallel_loop3A_416], %parallel_loop3A_412 {strides = array<i32>} : memref<2x64x128xf32, #tpu.memory_space<vmem>>, vector<16xf32>,
        %parallel_loop3A_418 = arith.constant 8.000000e+00 : f32
        %parallel_loop3A_419 = vector.broadcast %parallel_loop3A_418 : f32 to vector<16xf32>
        %parallel_loop3A_420 = arith.mulf %parallel_loop3A_360, %parallel_loop3A_419 : vector<16xf32>
        %parallel_loop3A_421 = arith.addf %parallel_loop3A_420, %parallel_loop3A_344 : vector<16xf32>
        %parallel_loop3A_422 = arith.constant 1 : i32
        %parallel_loop3A_423 = arith.index_cast %parallel_loop3A_422 : i32 to index
        %parallel_loop3A_424 = arith.index_cast %parallel_loop3A_334 : i32 to index
        %parallel_loop3A_425 = arith.constant 16 : index
        %parallel_loop3A_426 = tpu.vector_load %arg10[%parallel_loop3A_423, %parallel_loop3A_424, %parallel_loop3A_425] {strides = array<i32>} : memref<2x64x128xf32, #tpu.memory_space<vmem>>, vector<16xf32>,
        tpu.vector_store %arg10[%parallel_loop3A_423, %parallel_loop3A_424, %parallel_loop3A_425], %parallel_loop3A_421 {strides = array<i32>} : memref<2x64x128xf32, #tpu.memory_space<vmem>>, vector<16xf32>,
        %parallel_loop3A_427 = arith.constant 8.000000e+00 : f32
        %parallel_loop3A_428 = vector.broadcast %parallel_loop3A_427 : f32 to vector<16xf32>
        %parallel_loop3A_429 = arith.mulf %parallel_loop3A_368, %parallel_loop3A_428 : vector<16xf32>
        %parallel_loop3A_430 = arith.addf %parallel_loop3A_429, %parallel_loop3A_344 : vector<16xf32>
        %parallel_loop3A_431 = arith.constant 1 : i32
        %parallel_loop3A_432 = arith.index_cast %parallel_loop3A_431 : i32 to index
        %parallel_loop3A_433 = arith.index_cast %parallel_loop3A_334 : i32 to index
        %parallel_loop3A_434 = arith.constant 32 : index
        %parallel_loop3A_435 = tpu.vector_load %arg10[%parallel_loop3A_432, %parallel_loop3A_433, %parallel_loop3A_434] {strides = array<i32>} : memref<2x64x128xf32, #tpu.memory_space<vmem>>, vector<16xf32>,
        tpu.vector_store %arg10[%parallel_loop3A_432, %parallel_loop3A_433, %parallel_loop3A_434], %parallel_loop3A_430 {strides = array<i32>} : memref<2x64x128xf32, #tpu.memory_space<vmem>>, vector<16xf32>,
        %parallel_loop3A_436 = arith.constant 8.000000e+00 : f32
        %parallel_loop3A_437 = vector.broadcast %parallel_loop3A_436 : f32 to vector<16xf32>
        %parallel_loop3A_438 = arith.mulf %parallel_loop3A_376, %parallel_loop3A_437 : vector<16xf32>
        %parallel_loop3A_439 = arith.addf %parallel_loop3A_438, %parallel_loop3A_344 : vector<16xf32>
        %parallel_loop3A_440 = arith.constant 1 : i32
        %parallel_loop3A_441 = arith.index_cast %parallel_loop3A_440 : i32 to index
        %parallel_loop3A_442 = arith.index_cast %parallel_loop3A_334 : i32 to index
        %parallel_loop3A_443 = arith.constant 48 : index
        %parallel_loop3A_444 = tpu.vector_load %arg10[%parallel_loop3A_441, %parallel_loop3A_442, %parallel_loop3A_443] {strides = array<i32>} : memref<2x64x128xf32, #tpu.memory_space<vmem>>, vector<16xf32>,
        tpu.vector_store %arg10[%parallel_loop3A_441, %parallel_loop3A_442, %parallel_loop3A_443], %parallel_loop3A_439 {strides = array<i32>} : memref<2x64x128xf32, #tpu.memory_space<vmem>>, vector<16xf32>,
        %parallel_loop3A_445 = arith.constant 8.000000e+00 : f32
        %parallel_loop3A_446 = vector.broadcast %parallel_loop3A_445 : f32 to vector<16xf32>
        %parallel_loop3A_447 = arith.mulf %parallel_loop3A_384, %parallel_loop3A_446 : vector<16xf32>
        %parallel_loop3A_448 = arith.addf %parallel_loop3A_447, %parallel_loop3A_344 : vector<16xf32>
        %parallel_loop3A_449 = arith.constant 1 : i32
        %parallel_loop3A_450 = arith.index_cast %parallel_loop3A_449 : i32 to index
        %parallel_loop3A_451 = arith.index_cast %parallel_loop3A_334 : i32 to index
        %parallel_loop3A_452 = arith.constant 64 : index
        %parallel_loop3A_453 = tpu.vector_load %arg10[%parallel_loop3A_450, %parallel_loop3A_451, %parallel_loop3A_452] {strides = array<i32>} : memref<2x64x128xf32, #tpu.memory_space<vmem>>, vector<16xf32>,
        tpu.vector_store %arg10[%parallel_loop3A_450, %parallel_loop3A_451, %parallel_loop3A_452], %parallel_loop3A_448 {strides = array<i32>} : memref<2x64x128xf32, #tpu.memory_space<vmem>>, vector<16xf32>,
        %parallel_loop3A_454 = arith.constant 8.000000e+00 : f32
        %parallel_loop3A_455 = vector.broadcast %parallel_loop3A_454 : f32 to vector<16xf32>
        %parallel_loop3A_456 = arith.mulf %parallel_loop3A_392, %parallel_loop3A_455 : vector<16xf32>
        %parallel_loop3A_457 = arith.addf %parallel_loop3A_456, %parallel_loop3A_344 : vector<16xf32>
        %parallel_loop3A_458 = arith.constant 1 : i32
        %parallel_loop3A_459 = arith.index_cast %parallel_loop3A_458 : i32 to index
        %parallel_loop3A_460 = arith.index_cast %parallel_loop3A_334 : i32 to index
        %parallel_loop3A_461 = arith.constant 80 : index
        %parallel_loop3A_462 = tpu.vector_load %arg10[%parallel_loop3A_459, %parallel_loop3A_460, %parallel_loop3A_461] {strides = array<i32>} : memref<2x64x128xf32, #tpu.memory_space<vmem>>, vector<16xf32>,
        tpu.vector_store %arg10[%parallel_loop3A_459, %parallel_loop3A_460, %parallel_loop3A_461], %parallel_loop3A_457 {strides = array<i32>} : memref<2x64x128xf32, #tpu.memory_space<vmem>>, vector<16xf32>,
        %parallel_loop3A_463 = arith.constant 8.000000e+00 : f32
        %parallel_loop3A_464 = vector.broadcast %parallel_loop3A_463 : f32 to vector<16xf32>
        %parallel_loop3A_465 = arith.mulf %parallel_loop3A_400, %parallel_loop3A_464 : vector<16xf32>
        %parallel_loop3A_466 = arith.addf %parallel_loop3A_465, %parallel_loop3A_344 : vector<16xf32>
        %parallel_loop3A_467 = arith.constant 1 : i32
        %parallel_loop3A_468 = arith.index_cast %parallel_loop3A_467 : i32 to index
        %parallel_loop3A_469 = arith.index_cast %parallel_loop3A_334 : i32 to index
        %parallel_loop3A_470 = arith.constant 96 : index
        %parallel_loop3A_471 = tpu.vector_load %arg10[%parallel_loop3A_468, %parallel_loop3A_469, %parallel_loop3A_470] {strides = array<i32>} : memref<2x64x128xf32, #tpu.memory_space<vmem>>, vector<16xf32>,
        tpu.vector_store %arg10[%parallel_loop3A_468, %parallel_loop3A_469, %parallel_loop3A_470], %parallel_loop3A_466 {strides = array<i32>} : memref<2x64x128xf32, #tpu.memory_space<vmem>>, vector<16xf32>,
        %parallel_loop3A_472 = arith.constant 8.000000e+00 : f32
        %parallel_loop3A_473 = vector.broadcast %parallel_loop3A_472 : f32 to vector<16xf32>
        %parallel_loop3A_474 = arith.mulf %parallel_loop3A_408, %parallel_loop3A_473 : vector<16xf32>
        %parallel_loop3A_475 = arith.addf %parallel_loop3A_474, %parallel_loop3A_344 : vector<16xf32>
        %parallel_loop3A_476 = arith.constant 1 : i32
        %parallel_loop3A_477 = arith.index_cast %parallel_loop3A_476 : i32 to index
        %parallel_loop3A_478 = arith.index_cast %parallel_loop3A_334 : i32 to index
        %parallel_loop3A_479 = arith.constant 112 : index
        %parallel_loop3A_480 = tpu.vector_load %arg10[%parallel_loop3A_477, %parallel_loop3A_478, %parallel_loop3A_479] {strides = array<i32>} : memref<2x64x128xf32, #tpu.memory_space<vmem>>, vector<16xf32>,
        tpu.vector_store %arg10[%parallel_loop3A_477, %parallel_loop3A_478, %parallel_loop3A_479], %parallel_loop3A_475 {strides = array<i32>} : memref<2x64x128xf32, #tpu.memory_space<vmem>>, vector<16xf32>,
      } {sc.loop_unroll_factor = 4 : i64, sc.parallel_access}
      %dma_start3A_319 = arith.constant 1 : i32
      %dma_start3A_320 = arith.constant 0 : i32
      %dma_start3A_321 = arith.constant 0 : i32
      %dma_start3A_322 = tpu.memref_slice %arg10[%dma_start3A_319, %dma_start3A_320, %dma_start3A_321] : memref<2x64x128xf32, #tpu.memory_space<vmem>> -> memref<1x64x128xf32, #tpu.memory_space<vmem>>
      %dma_start3A_323 = tpu.memref_squeeze %dma_start3A_322 : memref<1x64x128xf32, #tpu.memory_space<vmem>> -> memref<64x128xf32, #tpu.memory_space<vmem>>
      %dma_start3A_324 = arith.constant 0 : i32
      %dma_start3A_325 = tpu.memref_slice %arg5[%add3A_56, %dma_start3A_324, %mul3A_2] : memref<200x64x4096xf32, #tpu.memory_space<hbm>> -> memref<1x64x128xf32, #tpu.memory_space<hbm>>
      %dma_start3A_326 = tpu.memref_squeeze %dma_start3A_325 : memref<1x64x128xf32, #tpu.memory_space<hbm>> -> memref<64x128xf32, #tpu.memory_space<hbm>>
      %dma_start3A_327 = arith.constant 0 : i32
      %dma_start3A_328 = tpu.memref_slice %arg5[%add3A_56, %dma_start3A_327, %mul3A_2] : memref<200x64x4096xf32, #tpu.memory_space<hbm>> -> memref<1x64x128xf32, #tpu.memory_space<hbm>>
      %dma_start3A_329 = tpu.memref_squeeze %dma_start3A_328 : memref<1x64x128xf32, #tpu.memory_space<hbm>> -> memref<64x128xf32, #tpu.memory_space<hbm>>
      %dma_start3A_330 = arith.constant 0 : i32
      %dma_start3A_331 = arith.constant 0 : i32
      %dma_start3A_332 = tpu.memref_slice %arg10[%dma_start3A_319, %dma_start3A_330, %dma_start3A_331] : memref<2x64x128xf32, #tpu.memory_space<vmem>> -> memref<1x64x128xf32, #tpu.memory_space<vmem>>
      %dma_start3A_333 = tpu.memref_squeeze %dma_start3A_332 : memref<1x64x128xf32, #tpu.memory_space<vmem>> -> memref<64x128xf32, #tpu.memory_space<vmem>>
      tpu.enqueue_dma source(%dma_start3A_333 : memref<64x128xf32, #tpu.memory_space<vmem>>) target(%dma_start3A_329 : memref<64x128xf32, #tpu.memory_space<hbm>>) target_semaphore(%arg14 : memref<!tpu.dma_semaphore, #tpu.memory_space<semaphore_mem>>)
    }
    %scan3A_20 = arith.constant 100 : i32
    %dma_wait3A = arith.constant 0 : i32
    %dma_wait3A_21 = arith.constant 198 : i32
    %dma_wait3A_22 = arith.constant 0 : i32
    %dma_wait3A_23 = arith.constant 0 : i32
    %dma_wait3A_24 = tpu.memref_slice %arg10[%dma_wait3A, %dma_wait3A_22, %dma_wait3A_23] : memref<2x64x128xf32, #tpu.memory_space<vmem>> -> memref<1x64x128xf32, #tpu.memory_space<vmem>>
    %dma_wait3A_25 = tpu.memref_squeeze %dma_wait3A_24 : memref<1x64x128xf32, #tpu.memory_space<vmem>> -> memref<64x128xf32, #tpu.memory_space<vmem>>
    %dma_wait3A_26 = arith.constant 0 : i32
    %dma_wait3A_27 = tpu.memref_slice %arg5[%dma_wait3A_21, %dma_wait3A_26, %mul3A_2] : memref<200x64x4096xf32, #tpu.memory_space<hbm>> -> memref<1x64x128xf32, #tpu.memory_space<hbm>>
    %dma_wait3A_28 = tpu.memref_squeeze %dma_wait3A_27 : memref<1x64x128xf32, #tpu.memory_space<hbm>> -> memref<64x128xf32, #tpu.memory_space<hbm>>
    %dma_wait3A_29 = arith.constant 0 : i32
    %dma_wait3A_30 = tpu.memref_slice %arg5[%dma_wait3A_21, %dma_wait3A_29, %mul3A_2] : memref<200x64x4096xf32, #tpu.memory_space<hbm>> -> memref<1x64x128xf32, #tpu.memory_space<hbm>>
    %dma_wait3A_31 = tpu.memref_squeeze %dma_wait3A_30 : memref<1x64x128xf32, #tpu.memory_space<hbm>> -> memref<64x128xf32, #tpu.memory_space<hbm>>
    %dma_wait3A_32 = arith.constant 0 : i32
    %dma_wait3A_33 = arith.constant 0 : i32
    %dma_wait3A_34 = tpu.memref_slice %arg10[%dma_wait3A, %dma_wait3A_32, %dma_wait3A_33] : memref<2x64x128xf32, #tpu.memory_space<vmem>> -> memref<1x64x128xf32, #tpu.memory_space<vmem>>
    %dma_wait3A_35 = tpu.memref_squeeze %dma_wait3A_34 : memref<1x64x128xf32, #tpu.memory_space<vmem>> -> memref<64x128xf32, #tpu.memory_space<vmem>>
    tpu.wait_dma2 semaphore(%arg13 : memref<!tpu.dma_semaphore, #tpu.memory_space<semaphore_mem>>) src(%dma_wait3A_35 : memref<64x128xf32, #tpu.memory_space<vmem>>) dst(%dma_wait3A_31 : memref<64x128xf32, #tpu.memory_space<hbm>>)
    %dma_wait3A_36 = arith.constant 1 : i32
    %dma_wait3A_37 = arith.constant 199 : i32
    %dma_wait3A_38 = arith.constant 0 : i32
    %dma_wait3A_39 = arith.constant 0 : i32
    %dma_wait3A_40 = tpu.memref_slice %arg10[%dma_wait3A_36, %dma_wait3A_38, %dma_wait3A_39] : memref<2x64x128xf32, #tpu.memory_space<vmem>> -> memref<1x64x128xf32, #tpu.memory_space<vmem>>
    %dma_wait3A_41 = tpu.memref_squeeze %dma_wait3A_40 : memref<1x64x128xf32, #tpu.memory_space<vmem>> -> memref<64x128xf32, #tpu.memory_space<vmem>>
    %dma_wait3A_42 = arith.constant 0 : i32
    %dma_wait3A_43 = tpu.memref_slice %arg5[%dma_wait3A_37, %dma_wait3A_42, %mul3A_2] : memref<200x64x4096xf32, #tpu.memory_space<hbm>> -> memref<1x64x128xf32, #tpu.memory_space<hbm>>
    %dma_wait3A_44 = tpu.memref_squeeze %dma_wait3A_43 : memref<1x64x128xf32, #tpu.memory_space<hbm>> -> memref<64x128xf32, #tpu.memory_space<hbm>>
    %dma_wait3A_45 = arith.constant 0 : i32
    %dma_wait3A_46 = tpu.memref_slice %arg5[%dma_wait3A_37, %dma_wait3A_45, %mul3A_2] : memref<200x64x4096xf32, #tpu.memory_space<hbm>> -> memref<1x64x128xf32, #tpu.memory_space<hbm>>
    %dma_wait3A_47 = tpu.memref_squeeze %dma_wait3A_46 : memref<1x64x128xf32, #tpu.memory_space<hbm>> -> memref<64x128xf32, #tpu.memory_space<hbm>>
    %dma_wait3A_48 = arith.constant 0 : i32
    %dma_wait3A_49 = arith.constant 0 : i32
    %dma_wait3A_50 = tpu.memref_slice %arg10[%dma_wait3A_36, %dma_wait3A_48, %dma_wait3A_49] : memref<2x64x128xf32, #tpu.memory_space<vmem>> -> memref<1x64x128xf32, #tpu.memory_space<vmem>>
    %dma_wait3A_51 = tpu.memref_squeeze %dma_wait3A_50 : memref<1x64x128xf32, #tpu.memory_space<vmem>> -> memref<64x128xf32, #tpu.memory_space<vmem>>
    tpu.wait_dma2 semaphore(%arg14 : memref<!tpu.dma_semaphore, #tpu.memory_space<semaphore_mem>>) src(%dma_wait3A_51 : memref<64x128xf32, #tpu.memory_space<vmem>>) dst(%dma_wait3A_47 : memref<64x128xf32, #tpu.memory_space<hbm>>)
    return
  }
}

</mosaic_0001>

<sc_bundles>
// kernel: kernel.3.cloned.1.call-start
scs
__scs_entry_jumppad:
0x0: {  	(pc) =	sbr.rel $0x88, $3  }
0x1: {  	(tag) =	ssettag $0x0;
	lr =	simm.s32 $0x1  }
0x2: {  	[smem:$0x3F9F] =	sst lr;
	_ =	strace $0xD0000000  }
0x3: {  	_ = 	snop  }
0x4: {  	_ = 	snop  }
0x5: {  	_ = 	snop  }
0x6: {  	_ = 	snop  }
0x7: {  	_ = 	snop  }
__scs_overlays_trampoline_lowered:
0x8: {  	[smem:$0x3FAE] =	sst s0  }
0x9: {  	[smem:$0x3FAF] =	sst s1  }
0xa: {  	[smem:$0x3FB0] =	sst s2  }
0xb: {  	[smem:$0x3FB1] =	sst s3  }
0xc: {  	[smem:$0x3FB2] =	sst s4  }
0xd: {  	[smem:$0x3FB3] =	sst s5  }
0xe: {  	[smem:$0x3FB4] =	sst s6  }
0xf: {  	[smem:$0x3FB5] =	sst s7  }
0x10: {  	[smem:$0x3FB6] =	sst s8  }
0x11: {  	[smem:$0x3FB7] =	sst s9;
	s0 =	simm.s32 @!p0 $0x0  }
0x12: {  	s1 =	sld [smem:$0x3F9D];
	s0 =	simm.s32 @p0 $0x1  }
0x13: {  	[smem:$0x3FB8] =	sst s0;
	s0 =	simm.s32 @!p1 $0x0  }
0x14: {  	s2 =	sld [smem:$0x3F9C];
	s0 =	simm.s32 @p1 $0x1  }
0x15: {  	[smem:$0x3FB9] =	sst s0;
	s0 =	simm.s32 @!p2 $0x0  }
0x16: {  	s3 =	sld [smem:$0x3FDB];
	s0 =	simm.s32 @p2 $0x1  }
0x17: {  	s4 =	simm.s32 $0x1BF5;
	[smem:$0x3FBB] =	sst s0  }
0x18: {  	s0 =	sld [smem:$0x3F9E];
	_ =	swait.ge [sflag:s4], $0x0  }
0x19: {  	s7 =	sld [smem:$0x3F9F]  }
0x1a: {  	s8 =	sadd.s32 $0xFFFFE003, lr  }
0x1b: {  	s9 =	sadd.s32 $0xFFFFFEF7, lr;
	s5 =	simm.s32 $0xFFFFFFFF;
	p2 =	slt.u32 s8, $0xFFFFF086  }
0x1c: {  	p1 =	slt.u32 s9, $0xF7A;
	s5 =	simm.s32 @!p2 $0x0  }
0x1d: {  	s5 =	simm.s32 @p1 $0x1;
	p0 =	seq.s32 s7, s2  }
0x1e: {  	s7 =	smul.u32 @!p0 $0xF7A, s2;
	p2 =	seq.s32 @!p0 s5, $0x0  }
0x1f: {  	s9 =	smul.u32 $0xF7A, s1;
	s8 =	simm.s32 @!p0 $0x1BF5;
	p2 =	por !p2, p0  }
0x20: {  	[sflag:s8] =	ssyncset.s32 @!p0 $0xFFFFF086;
	s6 =	sadd.s32 @!p0 s3, s7;
	s7 =	simm.s32 @!p0 $0x108  }
0x21: {  	s3 =	sadd.s32 s3, s9;
	s6 =	sadd.s32 @!p0 $0x88, s6;
	s7 =	simm.s32 @p2 $0x1082  }
0x22: {  	[simem:s7], [sflag:s8] =	dma.local @!p0 [hbm:s6], $0xF7A  }
0x23: {  	s9 =	sor.u32 $0xD0000000, s2;
	s6 =	simm.s32 $0x108;
	_ =	swait.ge @!p0 [sflag:s8], $0x0  }
0x24: {  	s3 =	sadd.s32 $0x88, s3;
	s6 =	simm.s32 @!p1 $0x1082;
	[sflag:s4] =	ssyncset.s32 $0xFFFFF086  }
0x25: {  	[simem:s6], [sflag:s4] =	dma.local [hbm:s3], $0xF7A  }
0x26: {  	[smem:$0x3F9F] =	sst s1;
	(tag) =	ssettag s2;
	_ =	strace s9  }
0x27: {  	s1 =	sld [smem:$0x3FAF]  }
0x28: {  	s2 =	sld [smem:$0x3FB0]  }
0x29: {  	s4 =	sld [smem:$0x3FB2]  }
0x2a: {  	p0 =	seq.s32 s5, $0x0;
	s5 =	sld [smem:$0x3FB3]  }
0x2b: {  	s6 =	sld [smem:$0x3FB4]  }
0x2c: {  	s7 =	sld [smem:$0x3FB5]  }
0x2d: {  	s3 =	simm.s32 $0x108;
	s8 =	sld [smem:$0x3FB6]  }
0x2e: {  	s3 =	simm.s32 @!p0 $0x1082;
	s9 =	sld [smem:$0x3FB7]  }
0x2f: {  	lr =	sadd.s32 s0, s3;
	s0 =	sld [smem:$0x3FAE]  }
0x30: {  	s3 =	sld [smem:$0x3FB1]  }
0x31: {  	[smem:$0x3FBA] =	sst s10  }
0x32: {  	s10 =	sld [smem:$0x3FB8];
	_ =	sdelay $0x3  }
0x33: {  	p0 =	seq.s32 s10, $0x1;
	s10 =	sld [smem:$0x3FBA];
	_ =	sdelay $0x3  }
0x34: {  	[smem:$0x3FBA] =	sst s10  }
0x35: {  	s10 =	sld [smem:$0x3FB9];
	_ =	sdelay $0x3  }
0x36: {  	p1 =	seq.s32 s10, $0x1;
	s10 =	sld [smem:$0x3FBA];
	_ =	sdelay $0x3  }
0x37: {  	[smem:$0x3FBA] =	sst s10  }
0x38: {  	s10 =	sld [smem:$0x3FBB]  }
0x39: {  	_ = 	snop;
	(pc) =	sbr.ind lr, $3  }
0x3a: {  	_ = 	snop  }
0x3b: {  	_ = 	snop  }
0x3c: {  	p2 =	seq.s32 s10, $0x1;
	s10 =	sld [smem:$0x3FBA]  }
0x3d: {  	_ =	shalt  }
0x3e: {  	_ =	shalt  }
0x3f: {  	_ =	shalt  }
0x40: {  	_ =	shalt  }
0x41: {  	_ =	shalt  }
0x42: {  	_ =	shalt  }
0x43: {  	_ =	shalt  }
0x44: {  	_ =	shalt  }
0x45: {  	_ =	shalt  }
0x46: {  	_ =	shalt  }
0x47: {  	_ =	shalt  }
0x48: {  	_ =	shalt  }
0x49: {  	_ =	shalt  }
0x4a: {  	_ =	shalt  }
0x4b: {  	_ =	shalt  }
0x4c: {  	_ =	shalt  }
0x4d: {  	_ =	shalt  }
0x4e: {  	_ =	shalt  }
0x4f: {  	_ =	shalt  }
0x50: {  	_ =	shalt  }
0x51: {  	_ =	shalt  }
0x52: {  	_ =	shalt  }
0x53: {  	_ =	shalt  }
0x54: {  	_ =	shalt  }
0x55: {  	_ =	shalt  }
0x56: {  	_ =	shalt  }
0x57: {  	_ =	shalt  }
0x58: {  	_ =	shalt  }
0x59: {  	_ =	shalt  }
0x5a: {  	_ =	shalt  }
0x5b: {  	_ =	shalt  }
0x5c: {  	_ =	shalt  }
0x5d: {  	_ =	shalt  }
0x5e: {  	_ =	shalt  }
0x5f: {  	_ =	shalt  }
0x60: {  	_ =	shalt  }
0x61: {  	_ =	shalt  }
0x62: {  	_ =	shalt  }
0x63: {  	_ =	shalt  }
0x64: {  	_ =	shalt  }
0x65: {  	_ =	shalt  }
0x66: {  	_ =	shalt  }
0x67: {  	_ =	shalt  }
0x68: {  	_ =	shalt  }
0x69: {  	_ =	shalt  }
0x6a: {  	_ =	shalt  }
0x6b: {  	_ =	shalt  }
0x6c: {  	_ =	shalt  }
0x6d: {  	_ =	shalt  }
0x6e: {  	_ =	shalt  }
0x6f: {  	_ =	shalt  }
0x70: {  	_ =	shalt  }
0x71: {  	_ =	shalt  }
0x72: {  	_ =	shalt  }
0x73: {  	_ =	shalt  }
0x74: {  	_ =	shalt  }
0x75: {  	_ =	shalt  }
0x76: {  	_ =	shalt  }
0x77: {  	_ =	shalt  }
0x78: {  	_ =	shalt  }
0x79: {  	_ =	shalt  }
0x7a: {  	_ =	shalt  }
0x7b: {  	_ =	shalt  }
0x7c: {  	_ =	shalt  }
0x7d: {  	_ =	shalt  }
0x7e: {  	_ =	shalt  }
0x7f: {  	_ =	shalt  }
0x80: {  	_ =	shalt  }
0x81: {  	_ =	shalt  }
0x82: {  	_ =	shalt  }
0x83: {  	_ =	shalt  }
0x84: {  	_ =	shalt  }
0x85: {  	_ =	shalt  }
0x86: {  	_ =	shalt  }
0x87: {  	_ =	shalt  }
.Lfunc_end0:
.L_simem_size_0:
called_computation_lowered:
.L_overlay_start_0:
0x88: {  	s2 =	sld [smem:$0x3FD9]  }
0x89: {  	s3 =	sld [smem:$0x3FFE];
	_ =	sdelay $0x1  }
0x8a: {  	s1 =	srdreg.scid  }
0x8b: {  	s0 =	sand.u32 $0x1, s1  }
0x8c: {  	s17 =	sshll.u32 s0, $0xA;
	s2 =	sadd.s32 s3, s2  }
0x8d: {  	s2 =	sadd.s32 s2, s17  }
0x8e: {  	[smem:$0x3FC6] =	sst s2  }
0x8f: {  	_ = 	snop  }
0x90: {  	s2 =	sld [smem:$0x3FC9]  }
0x91: {  	s18 =	sld [smem:$0x3FD0];
	(tm) =	ssettm $0x1  }
0x92: {  	s4 =	sld [smem:$0x3FFB];
	_ =	sdelay $0x3  }
0x93: {  	_ =	strace s4  }
0x94: {  	s4 =	sld [smem:$0x3FFC];
	_ =	sdelay $0x3  }
0x95: {  	_ =	strace s4  }
0x96: {  	s4 =	sld [smem:$0x3FFD];
	_ =	sdelay $0x3  }
0x97: {  	_ =	strace s4  }
0x98: {  	_ =	strace $0x8FFFFFFF  }
0x99: {  	s19 =	sld [smem:$0x3FDB];
	_ =	sdelay $0x1  }
0x9a: {  	s5 =	simm.s32 $_scs_section_size  }
0x9b: {  	s6 =	simm.s32 $_size__tile_overlayer_lowered;
	s7 =	simm.s32 $_tile_overlayer_lowered  }
0x9c: {  	s22 =	simm.s32 $0x1BFF;
	s21 =	sshll.u32 s7, $0x1;
	s4 =	sadd.s32 s5, s19  }
0x9d: {  	s8 =	simm.s32 $0x0;
	s20 =	sshll.u32 s6, $0x1;
	s6 =	sadd.s32 s21, s4  }
0x9e: {  	[timem:s8], [sflag:s22] =	dma.local [hbm:s6], s20  }
0x9f: {  	_ =	swait.ge [sflag:s22], s20  }
0xa0: {  	s5 =	ssub.s32 $0x0, s20;
	[sflag:s22] =	ssyncset.done $0x0  }
0xa1: {  	[sflag:s22] =	ssyncadd.s32 s5;
	_ =	sdelay $0x1  }
0xa2: {  	s23 =	simm.s32 $0x1B8B  }
0xa3: {  	_ =	swait.ge [sflag:s23], $0x1  }
0xa4: {  	[sflag:s23] =	ssyncset.done $0x0  }
0xa5: {  	s25 =	simm.s32 $0x1B8E;
	s24 =	sld [smem:$0x3FFE];
	[sflag:s23] =	ssyncadd.s32 $0xFFFFFFFF  }
0xa6: {  	s26 =	simm.s32 $execute0_lowered;
	[smem:$0x3FD2] =	sst s25  }
0xa7: {  	s6 =	sshll.u32 s26, $0x1;
	_ =	strace $0x80000046;
	[dreg:$0x1] =	wrdreg $0xFFFFFFFF  }
0xa8: {  	s28 =	simm.s32 $_size_execute0_lowered;
	s4 =	sadd.s32 s4, s6;
	[dreg:$0x0] =	wrdreg $0x0  }
0xa9: {  	s6 =	sshll.u32 s28, $0x1;
	[dreg:$0x2] =	wrdreg s4  }
0xaa: {  	[dreg:$0x3] =	wrdreg s6  }
0xab: {  	[dreg:$0x4] =	wrdreg $0xC0  }
0xac: {  	_ =	task [dreg:s8], $0x5FFFF  }
0xad: {  	[dreg:$0x1] =	wrdreg $0xFFFFFFFF  }
0xae: {  	[dreg:$0x0] =	wrdreg $0x60  }
0xaf: {  	[dreg:$0x2] =	wrdreg s2  }
0xb0: {  	[dreg:$0x3] =	wrdreg s24  }
0xb1: {  	[dreg:$0x4] =	wrdreg s18  }
0xb2: {  	[dreg:$0x5] =	wrdreg $0x9  }
0xb3: {  	_ =	task.clear_ibuf [dreg:s8], $0x6FFFF;
	_ =	strace $0x90000046  }
0xb4: {  	s29 =	simm.s32 $0x9;
	_ =	strace $0x80000048  }
0xb5: {  	_ =	swait.ge [sflag:s29], $0x1  }
0xb6: {  	[sflag:s29] =	ssyncadd.s32 $0xFFFFFFFF  }
0xb7: {  	_ =	strace $0x90000048  }
0xb8: {  	_ =	sfence  }
0xb9: {  	s30 =	sld [smem:$0x0];
	_ =	sdelay $0x2  }
0xba: {  	s31 =	sshll.u32 s1, $0xD;
	s1 =	sshrl.u32 s1, $0x2  }
0xbb: {  	s3 =	sand.u32 $0x4000, s31;
	s1 =	sadd.s32 s1, s30  }
0xbc: {  	s0 =	sor.u32 s3, s0;
	s1 =	sshll.u32 s1, $0x11  }
0xbd: {  	s0 =	sor.u32 s1, s0  }
0xbe: {  	s0 =	sadd.s32 $0x8F2B, s0  }
0xbf: {  	[sflag:s0] =	ssyncadd.remote.s32 $0x1  }
0xc0: {  	_ =	sfence.sel $0xFFFF  }
0xc1: {  	[dreg:$0x0] =	wrdreg $0xFFFFFFFF;
	(pc) =	sbr.abs _section_cstart, $3  }
0xc2: {  	[dreg:$0x1] =	wrdreg $0xFFFFFFFF  }
0xc3: {  	_ =	task.clear_ibuf [dreg:s8], $0x2FFFF;
	_ =	strace $0x9FFFFFFF  }
0xc4: {  	(tm) =	ssettm $0x7FFFFFFF  }
0xc5: {  	_ =	shalt  }
tec
execute0_lowered:
.L_overlay_start_1:
0x0: {  	(tag) =	ssettag $0x1  }
0x1: {  	s0 =	rddreg [dreg:$0x0]  }
0x2: {  	s2 =	rddreg [dreg:$0x1]  }
0x3: {  	s1 =	rddreg [dreg:$0x2];
	s3 =	simm.s32 $0x0;
	s29 =	srdreg.scid  }
0x4: {  	s4 =	stileid.u32;
	s9 =	simm.s32 $0x400;
	s10 =	simm.s32 $0x8000  }
0x5: {  	s11 =	simm.s32 $0x5;
	s12 =	simm.s32 $0x6400;
	s13 =	simm.s32 $0x80  }
0x6: {  	v0 =	vlaneseq.u32;
	s14 =	simm.s32 $0x9800;
	s15 =	simm.s32 $0x9900;
	s16 =	simm.s32 $0x9880  }
0x7: {  	s17 =	simm.s32 $0xD900;
	s18 =	simm.s32 $0x1;
	s19 =	simm.s32 $0x11900;
	v0 =	vmul.u32 $0x80, v0  }
0x8: {  	[smem:$0x7FF] =	sst s3;
	s3 =	sand.u32 $0x1, s29;
	s5 =	sshll.u32 s4, $0xB  }
0x9: {  	_ =	strace $0x80000047;
	s6 =	ssub.s32 $0x2, s3;
	s3 =	sshll.u32 s3, $0xA;
	v1 =	vor.u32 $0x800, v0;
	[tilespmem:$0x1FFB0] =	vst v0  }
0xa: {  	s20 =	simm.s32 $0x2;
	s4 =	sadd.s32 $0xF42A00, s2;
	s5 =	sor.u32 s3, s5;
	v4 =	vor.u32 $0x2000, v0;
	[tilespmem:$0x1FFA0] =	vst v1  }
0xb: {  	s2 =	sadd.s32 $0x600, s2;
	s7 =	sshrl.u32 s6, $0x1;
	v5 =	vor.u32 $0x2800, v0;
	s3 =	sshrl.u32 s5, $0x3;
	[tilespmem:$0x1FFC0] =	vst v4  }
0xc: {  	[dreg:$0x4] =	wrdreg s2;
	v6 =	vor.u32 $0x3000, v0;
	s30 =	ssub.s32 s6, s7;
	[tilespmem:$0x1FFD0] =	vst v5;
	s0 =	sadd.s32 s0, s3  }
0xd: {  	s21 =	simm.s32 $0x4;
	v7 =	vor.u32 $0x3800, v0;
	[tilespmem:$0x1FFE0] =	vst v6;
	s31 =	smax.u32 s30, $0x1;
	[dreg:$0x5] =	wrdreg s0  }
0xe: {  	s22 =	simm.s32 $0x13900;
	s24 =	simm.s32 $0x0;
	v2 =	vor.u32 $0x1000, v0;
	v3 =	vor.u32 $0x1800, v0;
	[tilespmem:$0x1FFF0] =	vst v7;
	[dreg:$0x6] =	wrdreg s31  }
.LBB2_1:
0xf: {  	s0 =	simm.s32 $0x0;
	s2 =	rddreg [dreg:$0x5]  }
0x10: {  	[tilespmem:s0], [sflag:$0x5] =	stream.strided.gather [hbm4b:s2+s9], $0x6400, s10, s9, $0x38;
	[tilespmem:$0x15900] =	vst v63  }
0x11: {  	_ =	swait.ge [sflag:s11], $0x6400  }
0x12: {  	[sflag:s11] =	ssyncset.done $0x0  }
0x13: {  	s31 =	rddreg [dreg:$0x4];
	[sflag:s11] =	ssyncadd.s32 $0xFFFF9C00  }
0x14: {  	[tilespmem:s12], [sflag:$0x5] =	stream.linear.gather [hbm4b:s31+s0], $0x3200, $0x38;
	[tilespmem:$0x15900] =	vst v63  }
0x15: {  	_ =	swait.ge [sflag:s11], $0x3200  }
0x16: {  	[sflag:s11] =	ssyncset.done $0x0  }
0x17: {  	p0 =	por $0x1, $0x1;
	s0 =	simm.s32 $0x0;
	[sflag:s11] =	ssyncadd.s32 $0xFFFFCE00  }
.LBB2_2:
0x18: {  	v8 =	vld [tilespmem:s0+$0x0];
	s2 =	sor.u32 $0x10, s0  }
0x19: {  	s30 =	sor.u32 $0x20, s0;
	v9 =	vld [tilespmem:s2+$0x0]  }
0x1a: {  	s31 =	sor.u32 $0x30, s0;
	v10 =	vld [tilespmem:s30+$0x0]  }
0x1b: {  	v11 =	vld [tilespmem:s31+$0x0]  }
0x1c: {  	p1 =	por p0, p0  }
.Ltmp0:
0x1d: {  	v8 =	vshrl.u32 v8, $0x1;
	(pc) =	sbr.rel @p1 .LBB2_2-.Ltmp0, $4  }
0x1e: {  	[tilespmem:s0+$0x9800] =	vst v8;
	v8 =	vshrl.u32 v9, $0x1  }
0x1f: {  	[tilespmem:s0+$0x9810] =	vst v8;
	v8 =	vshrl.u32 v10, $0x1  }
0x20: {  	[tilespmem:s0+$0x9820] =	vst v8;
	v8 =	vshrl.u32 v11, $0x1  }
0x21: {  	p0 =	por $0x0, $0x0;
	[tilespmem:s0+$0x9830] =	vst v8;
	s0 =	simm.s32 $0x40  }
0x22: {  	[tilespmem:s15], [sflag:$0x1] =	stream.indirect.gather [hbm4b:s4+s13], $0x80, s14, s13, $0xb8;
	[tilespmem:$0x15900] =	vst v63  }
0x23: {  	s25 =	simm.s32 $0x0  }
.LBB2_4:
0x24: {  	s26 =	sshllo.u32 s25, $0x1  }
0x25: {  	s0 =	sshll.u32 s26, $0x7  }
0x26: {  	s29 =	sand.u32 $0x3FFFFF80, s0  }
0x27: {  	v8 =	vmov s29;
	_ =	sdelay $0x3  }
0x28: {  	p0 =	por $0x1, $0x1;
	s0 =	simm.s32 $0x0  }
.LBB2_5:
0x29: {  	v9 =	vld.idx.msk [tilespmem:v8+s0+$0x0 ss:$0x1], $0xffff  }
0x2a: {  	v10 =	vld.idx.msk [tilespmem:v8+s0+$0x10 ss:$0x1], $0xffff  }
0x2b: {  	v11 =	vld.idx.msk [tilespmem:v8+s0+$0x20 ss:$0x1], $0xffff  }
0x2c: {  	v12 =	vld.idx.msk [tilespmem:v8+s0+$0x30 ss:$0x1], $0xffff  }
0x2d: {  	p1 =	por p0, p0  }
.Ltmp1:
0x2e: {  	v9 =	vshrl.u32 v9, $0x1;
	(pc) =	sbr.rel @p1 .LBB2_5-.Ltmp1, $4  }
0x2f: {  	[tilespmem:s0+$0x9880] =	vst v9;
	v9 =	vshrl.u32 v10, $0x1  }
0x30: {  	[tilespmem:s0+$0x9890] =	vst v9;
	v9 =	vshrl.u32 v11, $0x1  }
0x31: {  	[tilespmem:s0+$0x98A0] =	vst v9;
	v9 =	vshrl.u32 v12, $0x1  }
0x32: {  	p0 =	por $0x0, $0x0;
	[tilespmem:s0+$0x98B0] =	vst v9;
	s0 =	simm.s32 $0x40  }
0x33: {  	[tilespmem:s17], [sflag:$0x2] =	stream.indirect.gather [hbm4b:s4+s13], $0x80, s16, s13, $0xb8;
	[tilespmem:$0x15900] =	vst v63  }
0x34: {  	_ =	swait.ge [sflag:s18], $0x4000  }
0x35: {  	p0 =	seq.s32 s25, $0x0;
	[sflag:s18] =	ssyncset.done $0x0  }
0x36: {  	s0 =	simm.s32 @!p0 $0x3;
	[sflag:s18] =	ssyncadd.s32 $0xFFFFC000  }
0x37: {  	_ =	swait.ge @!p0 [sflag:s0], $0x2000  }
0x38: {  	s2 =	sshll.u32 s25, $0xA;
	[sflag:s0] =	ssyncset.done @!p0 $0x0  }
0x39: {  	s30 =	sshra.s32 s2, $0x2;
	[sflag:s0] =	ssyncadd.s32 @!p0 $0xFFFFE000  }
0x3a: {  	v8 =	vld [tilespmem:s30+$0x0]  }
0x3b: {  	v9 =	vld [tilespmem:s30+$0x10]  }
0x3c: {  	v10 =	vld [tilespmem:s30+$0x20]  }
0x3d: {  	v11 =	vld [tilespmem:s30+$0x30]  }
0x3e: {  	v12 =	vld [tilespmem:s30+$0x40]  }
0x3f: {  	v13 =	vld [tilespmem:s30+$0x50]  }
0x40: {  	s28 =	sshll.u32 s25, $0x7;
	v14 =	vld [tilespmem:s30+$0x60]  }
0x41: {  	s23 =	sadd.s32 $0x3, s28;
	v15 =	vld [tilespmem:s30+$0x70]  }
0x42: {  	s6 =	sadd.s32 $0x1, s28;
	v27 =	vmov s23  }
0x43: {  	v28 =	vmov s6;
	v8 =	vshll.u32 v8, $0x6;
	v9 =	vshll.u32 v9, $0x6  }
0x44: {  	v10 =	vshll.u32 v10, $0x6;
	v11 =	vshll.u32 v11, $0x6;
	v16 =	vshll.u32 v12, $0x6  }
0x45: {  	v17 =	vshll.u32 v13, $0x6;
	v18 =	vshll.u32 v14, $0x6;
	v8 =	vand.u32 $0x40, v8  }
0x46: {  	s8 =	simm.s32 $0x1;
	v19 =	vshll.u32 v15, $0x6;
	v15 =	vor.u32 v0, v8;
	v8 =	vand.u32 $0x40, v9  }
0x47: {  	s2 =	simm.s32 $0x2;
	v14 =	vor.u32 v1, v8;
	v8 =	vand.u32 $0x40, v10;
	v20 =	vor.u32 s8, v15  }
0x48: {  	s3 =	simm.s32 $0x3;
	v24 =	vor.u32 s2, v15;
	v13 =	vor.u32 v2, v8;
	v8 =	vand.u32 $0x40, v11  }
0x49: {  	s7 =	simm.s32 $0x0;
	v29 =	vor.u32 s3, v15;
	v12 =	vor.u32 v3, v8;
	v8 =	vand.u32 $0x40, v16  }
0x4a: {  	v27 =	vld.idx.msk [tilespmem:v27+s12+$0x0], $0xffff;
	v34 =	vor.u32 s7, v15;
	v11 =	vor.u32 v4, v8;
	v8 =	vand.u32 $0x40, v17  }
0x4b: {  	v28 =	vld.idx.msk [tilespmem:v28+s12+$0x0], $0xffff;
	v21 =	vor.u32 s8, v14;
	v10 =	vor.u32 v5, v8;
	v8 =	vand.u32 $0x40, v18  }
0x4c: {  	v25 =	vor.u32 s2, v14;
	v9 =	vor.u32 v6, v8;
	v8 =	vand.u32 $0x40, v19;
	v19 =	vld.idx.msk [tilespmem:v20+s15+$0x0], $0xffff  }
0x4d: {  	v30 =	vor.u32 s3, v14;
	v24 =	vld.idx.msk [tilespmem:v24+s15+$0x0], $0xffff  }
0x4e: {  	v16 =	vor.u32 s8, v13;
	v29 =	vld.idx.msk [tilespmem:v29+s15+$0x0], $0xffff  }
0x4f: {  	v31 =	vor.u32 s3, v13;
	v59 =	vld.idx.msk [tilespmem:v34+s15+$0x0], $0xffff  }
0x50: {  	v41 =	vor.u32 s2, v13;
	v21 =	vld.idx.msk [tilespmem:v21+s15+$0x0], $0xffff  }
0x51: {  	v17 =	vor.u32 s8, v12;
	v25 =	vld.idx.msk [tilespmem:v25+s15+$0x0], $0xffff  }
0x52: {  	v32 =	vor.u32 s3, v12;
	v30 =	vld.idx.msk [tilespmem:v30+s15+$0x0], $0xffff  }
0x53: {  	v18 =	vor.u32 s8, v11;
	v16 =	vld.idx.msk [tilespmem:v16+s15+$0x0], $0xffff  }
0x54: {  	v33 =	vor.u32 s3, v11;
	v8 =	vor.u32 v7, v8;
	v31 =	vld.idx.msk [tilespmem:v31+s15+$0x0], $0xffff  }
0x55: {  	v26 =	vor.u32 s3, v8;
	v41 =	vld.idx.msk [tilespmem:v41+s15+$0x0], $0xffff  }
0x56: {  	v20 =	vor.u32 s8, v10;
	v17 =	vld.idx.msk [tilespmem:v17+s15+$0x0], $0xffff  }
0x57: {  	v22 =	vor.u32 s8, v9;
	v32 =	vld.idx.msk [tilespmem:v32+s15+$0x0], $0xffff  }
0x58: {  	s6 =	simm.s32 $0x5;
	v36 =	vor.u32 s7, v14;
	v37 =	vor.u32 s7, v13;
	v23 =	vor.u32 s8, v8;
	v18 =	vld.idx.msk [tilespmem:v18+s15+$0x0], $0xffff  }
0x59: {  	v61 =	vor.u32 s6, v13;
	v39 =	vor.u32 s7, v12;
	v35 =	vor.u32 s3, v10;
	v33 =	vld.idx.msk [tilespmem:v33+s15+$0x0], $0xffff  }
0x5a: {  	v45 =	vor.u32 s2, v12;
	v38 =	vor.u32 s3, v9;
	s8 =	sadd.s32 $0x2, s28;
	v19 =	vmul.f32 $8.000000000e+00, v19;
	v26 =	vld.idx.msk [tilespmem:v26+s15+$0x0], $0xffff  }
0x5b: {  	v62 =	vor.u32 s6, v12;
	v43 =	vmov s8;
	v20 =	vld.idx.msk [tilespmem:v20+s15+$0x0], $0xffff;
	v21 =	vmul.f32 $8.000000000e+00, v21  }
0x5c: {  	v40 =	vor.u32 s7, v11;
	v22 =	vld.idx.msk [tilespmem:v22+s15+$0x0], $0xffff;
	v16 =	vmul.f32 $8.000000000e+00, v16;
	v19 =	vadd.f32 v19, v28  }
0x5d: {  	s31 =	simm.s32 $0x11A00;
	v46 =	vor.u32 s2, v11;
	v23 =	vld.idx.msk [tilespmem:v23+s15+$0x0], $0xffff;
	v17 =	vmul.f32 $8.000000000e+00, v17;
	v21 =	vadd.f32 v21, v28  }
0x5e: {  	v47 =	vor.u32 s2, v10;
	v35 =	vld.idx.msk [tilespmem:v35+s15+$0x0], $0xffff;
	v18 =	vmul.f32 $8.000000000e+00, v18;
	[tilespmem:s31+$0xFFFFFF80] =	vst v19;
	v16 =	vadd.f32 v16, v28  }
0x5f: {  	v42 =	vor.u32 s7, v10;
	v38 =	vld.idx.msk [tilespmem:v38+s15+$0x0], $0xffff;
	[tilespmem:s31+$0xFFFFFF90] =	vst v21;
	v17 =	vadd.f32 v17, v28;
	v26 =	vmul.f32 $8.000000000e+00, v26  }
0x60: {  	v48 =	vor.u32 s2, v9;
	v19 =	vld.idx.msk [tilespmem:v43+s12+$0x0], $0xffff;
	v20 =	vmul.f32 $8.000000000e+00, v20;
	[tilespmem:s31+$0xFFFFFFA0] =	vst v16;
	v16 =	vadd.f32 v18, v28  }
0x61: {  	v44 =	vor.u32 s7, v9;
	v21 =	vld.idx.msk [tilespmem:v45+s15+$0x0], $0xffff;
	v22 =	vmul.f32 $8.000000000e+00, v22;
	[tilespmem:s31+$0xFFFFFFB0] =	vst v17;
	v26 =	vadd.f32 v26, v27  }
0x62: {  	v29 =	vmul.f32 $8.000000000e+00, v29;
	v18 =	vld.idx.msk [tilespmem:v46+s15+$0x0], $0xffff;
	v23 =	vmul.f32 $8.000000000e+00, v23;
	v17 =	vadd.f32 v20, v28;
	[tilespmem:s31+$0xFFFFFFC0] =	vst v16  }
0x63: {  	v24 =	vmul.f32 $8.000000000e+00, v24;
	v20 =	vld.idx.msk [tilespmem:v47+s15+$0x0], $0xffff;
	v16 =	vadd.f32 v22, v28;
	[tilespmem:s31+$0xF0] =	vst v26;
	v26 =	vor.u32 s2, v8  }
0x64: {  	v34 =	vld.idx.msk [tilespmem:v39+s15+$0x0], $0xffff;
	v30 =	vmul.f32 $8.000000000e+00, v30;
	v25 =	vmul.f32 $8.000000000e+00, v25;
	[tilespmem:s31+$0xFFFFFFD0] =	vst v17;
	v17 =	vadd.f32 v23, v28  }
0x65: {  	v57 =	vadd.f32 v29, v27;
	v29 =	vmul.f32 $8.000000000e+00, v31;
	v22 =	vld.idx.msk [tilespmem:v48+s15+$0x0], $0xffff;
	[tilespmem:s31+$0xFFFFFFE0] =	vst v16;
	v16 =	vadd.f32 v24, v19  }
0x66: {  	v31 =	vld.idx.msk [tilespmem:v42+s15+$0x0], $0xffff;
	v24 =	vmul.f32 $8.000000000e+00, v41;
	[tilespmem:s31+$0xFFFFFFF0] =	vst v17;
	v17 =	vadd.f32 v25, v19;
	v25 =	vor.u32 s7, v8  }
0x67: {  	v58 =	vadd.f32 v30, v27;
	v30 =	vld.idx.msk [tilespmem:v40+s15+$0x0], $0xffff;
	v60 =	vadd.f32 v29, v27;
	[tilespmem:s31+$0x80] =	vst v57;
	v21 =	vmul.f32 $8.000000000e+00, v21  }
0x68: {  	s23 =	sadd.s32 $0x0, s28;
	v18 =	vmul.f32 $8.000000000e+00, v18;
	v20 =	vmul.f32 $8.000000000e+00, v20;
	v23 =	vld.idx.msk [tilespmem:v26+s15+$0x0], $0xffff;
	[tilespmem:s31+$0x0] =	vst v16;
	v16 =	vadd.f32 v24, v19  }
0x69: {  	v29 =	vld.idx.msk [tilespmem:v37+s15+$0x0], $0xffff;
	v26 =	vmul.f32 $8.000000000e+00, v32;
	v24 =	vmov s23;
	[tilespmem:s31+$0x10] =	vst v17;
	v17 =	vadd.f32 v21, v19  }
0x6a: {  	v28 =	vld.idx.msk [tilespmem:v36+s15+$0x0], $0xffff;
	v21 =	vor.u32 s6, v15;
	[tilespmem:s31+$0x20] =	vst v16;
	v16 =	vadd.f32 v18, v19;
	v18 =	vmul.f32 $8.000000000e+00, v22  }
0x6b: {  	v39 =	vor.u32 s6, v9;
	v32 =	vld.idx.msk [tilespmem:v25+s15+$0x0], $0xffff;
	v22 =	vor.u32 s6, v14;
	[tilespmem:s31+$0x30] =	vst v17;
	v17 =	vadd.f32 v20, v19  }
0x6c: {  	v25 =	vld.idx.msk [tilespmem:v62+s15+$0x0], $0xffff;
	v63 =	vadd.f32 v26, v27;
	[tilespmem:s31+$0x40] =	vst v16;
	v16 =	vadd.f32 v18, v19;
	v18 =	vmul.f32 $8.000000000e+00, v35  }
0x6d: {  	s3 =	simm.s32 $0x6;
	[tilespmem:s31+$0x90] =	vst v58;
	v26 =	vor.u32 s6, v11;
	v20 =	vmul.f32 $8.000000000e+00, v23;
	v23 =	vmul.f32 $8.000000000e+00, v33;
	v33 =	vld.idx.msk [tilespmem:v44+s15+$0x0], $0xffff  }
0x6e: {  	v42 =	vor.u32 s3, v15;
	v40 =	vor.u32 s6, v8;
	[tilespmem:s31+$0xA0] =	vst v60;
	v41 =	vor.u32 s6, v10;
	v24 =	vld.idx.msk [tilespmem:v24+s12+$0x0], $0xffff  }
0x6f: {  	s0 =	simm.s32 $0x4;
	v43 =	vmul.f32 $8.000000000e+00, v59;
	[tilespmem:s31+$0x50] =	vst v17;
	v36 =	vadd.f32 v18, v27;
	v37 =	vadd.f32 v23, v27;
	v23 =	vld.idx.msk [tilespmem:v21+s15+$0x0], $0xffff  }
0x70: {  	[tilespmem:s31+$0xB0] =	vst v63;
	v18 =	vor.u32 s0, v13;
	v17 =	vadd.f32 v20, v19;
	v19 =	vmul.f32 $8.000000000e+00, v38;
	v21 =	vld.idx.msk [tilespmem:v22+s15+$0x0], $0xffff  }
0x71: {  	[tilespmem:s31+$0x60] =	vst v16;
	v16 =	vor.u32 s0, v11;
	v20 =	vor.u32 s0, v15;
	v22 =	vld.idx.msk [tilespmem:v61+s15+$0x0], $0xffff;
	v38 =	vor.u32 s3, v14  }
0x72: {  	s7 =	simm.s32 $0x7;
	s2 =	simm.s32 $0x8;
	v26 =	vld.idx.msk [tilespmem:v26+s15+$0x0], $0xffff;
	[tilespmem:s31+$0x70] =	vst v17;
	v35 =	vadd.f32 v19, v27;
	v19 =	vor.u32 s0, v14;
	v17 =	vor.u32 s0, v12  }
.LBB2_7:
0x73: {  	p1 =	slt.u32 s2, $0x3C;
	v27 =	vor.u32 s0, v10;
	v41 =	vld.idx.msk [tilespmem:v41+s15+$0x0], $0xffff;
	v44 =	vor.u32 s7, v8;
	v28 =	vmul.f32 $8.000000000e+00, v28;
	[tilespmem:s31+$0xC0] =	vst v37  }
0x74: {  	s8 =	sadd.s32 s28, s7;
	v29 =	vmul.f32 $8.000000000e+00, v29;
	v37 =	vld.idx.msk [tilespmem:v39+s15+$0x0], $0xffff;
	v39 =	vor.u32 s3, v13;
	v43 =	vadd.f32 v43, v24;
	[tilespmem:s31+$0xD0] =	vst v36  }
0x75: {  	s6 =	sadd.s32 s28, s6;
	v34 =	vmul.f32 $8.000000000e+00, v34;
	v36 =	vld.idx.msk [tilespmem:v40+s15+$0x0], $0xffff;
	v40 =	vmov s8;
	v28 =	vadd.f32 v28, v24;
	[tilespmem:s31+$0xE0] =	vst v35  }
0x76: {  	v30 =	vmul.f32 $8.000000000e+00, v30;
	v35 =	vmov s6;
	v29 =	vadd.f32 v29, v24;
	v42 =	vld.idx.msk [tilespmem:v42+s15+$0x0], $0xffff;
	[tilespmem:s31+$0xFFFFFF00] =	vst v43  }
0x77: {  	v31 =	vmul.f32 $8.000000000e+00, v31;
	v43 =	vor.u32 s7, v15;
	v38 =	vld.idx.msk [tilespmem:v38+s15+$0x0], $0xffff;
	[tilespmem:s31+$0xFFFFFF10] =	vst v28;
	v28 =	vadd.f32 v34, v24  }
0x78: {  	v34 =	vor.u32 s7, v14;
	v44 =	vld.idx.msk [tilespmem:v44+s15+$0x0], $0xffff;
	[tilespmem:s31+$0xFFFFFF20] =	vst v29;
	v29 =	vadd.f32 v30, v24;
	v30 =	vmul.f32 $8.000000000e+00, v33  }
0x79: {  	v33 =	vld.idx.msk [tilespmem:v39+s15+$0x0], $0xffff;
	v39 =	vor.u32 s7, v13;
	[tilespmem:s31+$0xFFFFFF30] =	vst v28;
	v28 =	vadd.f32 v31, v24;
	v31 =	vmul.f32 $8.000000000e+00, v32  }
0x7a: {  	v45 =	vor.u32 s7, v12;
	v32 =	vor.u32 s0, v9;
	v40 =	vld.idx.msk [tilespmem:v40+s12+$0x0], $0xffff;
	[tilespmem:s31+$0xFFFFFF40] =	vst v29;
	v29 =	vadd.f32 v30, v24  }
0x7b: {  	v46 =	vor.u32 s7, v11;
	v30 =	vld.idx.msk [tilespmem:v35+s12+$0x0], $0xffff;
	v35 =	vor.u32 s3, v12;
	[tilespmem:s31+$0xFFFFFF50] =	vst v28;
	v24 =	vadd.f32 v31, v24  }
0x7c: {  	v47 =	vor.u32 s7, v10;
	v28 =	vor.u32 s3, v11;
	v31 =	vor.u32 s3, v10;
	v43 =	vld.idx.msk [tilespmem:v43+s15+$0x0], $0xffff;
	[tilespmem:s31+$0xFFFFFF60] =	vst v29  }
0x7d: {  	v23 =	vmul.f32 $8.000000000e+00, v23;
	v48 =	vor.u32 s7, v9;
	s6 =	sadd.s32 s28, s3;
	v29 =	vor.u32 s3, v9;
	v34 =	vld.idx.msk [tilespmem:v34+s15+$0x0], $0xffff;
	[tilespmem:s31+$0xFFFFFF70] =	vst v24  }
0x7e: {  	v21 =	vmul.f32 $8.000000000e+00, v21;
	v24 =	vmov s6;
	v44 =	vmul.f32 $8.000000000e+00, v44;
	v39 =	vld.idx.msk [tilespmem:v39+s15+$0x0], $0xffff  }
0x7f: {  	v49 =	vor.u32 s3, v8;
	v22 =	vmul.f32 $8.000000000e+00, v22;
	v25 =	vmul.f32 $8.000000000e+00, v25;
	v45 =	vld.idx.msk [tilespmem:v45+s15+$0x0], $0xffff  }
0x80: {  	v26 =	vmul.f32 $8.000000000e+00, v26;
	v41 =	vmul.f32 $8.000000000e+00, v41;
	v44 =	vadd.f32 v44, v40;
	v46 =	vld.idx.msk [tilespmem:v46+s15+$0x0], $0xffff  }
0x81: {  	v37 =	vmul.f32 $8.000000000e+00, v37;
	v36 =	vmul.f32 $8.000000000e+00, v36;
	s31 =	sadd.s32 $0x200, s31;
	v23 =	vadd.f32 v23, v30;
	v47 =	vld.idx.msk [tilespmem:v47+s15+$0x0], $0xffff  }
0x82: {  	v42 =	vmul.f32 $8.000000000e+00, v42;
	v21 =	vadd.f32 v21, v30;
	v43 =	vmul.f32 $8.000000000e+00, v43;
	v48 =	vld.idx.msk [tilespmem:v48+s15+$0x0], $0xffff;
	[tilespmem:s31+$0xF0] =	vst v44  }
0x83: {  	v22 =	vadd.f32 v22, v30;
	v34 =	vmul.f32 $8.000000000e+00, v34;
	[tilespmem:s31+$0xFFFFFF80] =	vst v23;
	v23 =	vld.idx.msk [tilespmem:v24+s12+$0x0], $0xffff;
	v24 =	vmul.f32 $8.000000000e+00, v38  }
0x84: {  	v38 =	vadd.f32 v43, v40;
	[tilespmem:s31+$0xFFFFFF90] =	vst v21;
	v21 =	vadd.f32 v25, v30;
	v25 =	vld.idx.msk [tilespmem:v35+s15+$0x0], $0xffff;
	v35 =	vmul.f32 $8.000000000e+00, v39  }
0x85: {  	v43 =	vadd.f32 v34, v40;
	[tilespmem:s31+$0xFFFFFFA0] =	vst v22;
	v22 =	vadd.f32 v26, v30;
	v26 =	vld.idx.msk [tilespmem:v28+s15+$0x0], $0xffff;
	v28 =	vmul.f32 $8.000000000e+00, v45  }
0x86: {  	v34 =	vmul.f32 $8.000000000e+00, v46;
	[tilespmem:s31+$0xFFFFFFB0] =	vst v21;
	v21 =	vadd.f32 v41, v30;
	v31 =	vld.idx.msk [tilespmem:v31+s15+$0x0], $0xffff;
	v44 =	vadd.f32 v35, v40  }
0x87: {  	[tilespmem:s31+$0xFFFFFFC0] =	vst v22;
	v22 =	vadd.f32 v37, v30;
	v39 =	vld.idx.msk [tilespmem:v29+s15+$0x0], $0xffff;
	v45 =	vadd.f32 v28, v40;
	v28 =	vmul.f32 $8.000000000e+00, v47  }
0x88: {  	v37 =	vadd.f32 v34, v40;
	v29 =	vmul.f32 $8.000000000e+00, v48;
	[tilespmem:s31+$0xFFFFFFD0] =	vst v21;
	v21 =	vadd.f32 v36, v30;
	v41 =	vld.idx.msk [tilespmem:v49+s15+$0x0], $0xffff  }
0x89: {  	v46 =	vld.idx.msk [tilespmem:v20+s15+$0x0], $0xffff;
	[tilespmem:s31+$0xFFFFFFE0] =	vst v22;
	v20 =	vadd.f32 v42, v23;
	v22 =	vmul.f32 $8.000000000e+00, v33;
	v36 =	vadd.f32 v28, v40  }
0x8a: {  	v35 =	vadd.f32 v29, v40;
	v28 =	vld.idx.msk [tilespmem:v19+s15+$0x0], $0xffff;
	[tilespmem:s31+$0xFFFFFFF0] =	vst v21;
	v19 =	vadd.f32 v24, v23;
	v21 =	vmul.f32 $8.000000000e+00, v25  }
0x8b: {  	s3 =	sadd.s32 s28, s0;
	v29 =	vld.idx.msk [tilespmem:v18+s15+$0x0], $0xffff;
	v18 =	vor.u32 s0, v8;
	[tilespmem:s31+$0x0] =	vst v20;
	v20 =	vadd.f32 v22, v23;
	v22 =	vmul.f32 $8.000000000e+00, v26;
	s0 =	smov.u32 s2  }
0x8c: {  	s6 =	sadd.s32 $0x1, s2;
	v24 =	vmov s3;
	v34 =	vld.idx.msk [tilespmem:v17+s15+$0x0], $0xffff;
	[tilespmem:s31+$0x10] =	vst v19;
	v17 =	vadd.f32 v21, v23;
	v19 =	vmul.f32 $8.000000000e+00, v31  }
0x8d: {  	v21 =	vor.u32 s6, v15;
	v30 =	vld.idx.msk [tilespmem:v16+s15+$0x0], $0xffff;
	[tilespmem:s31+$0x20] =	vst v20;
	v16 =	vadd.f32 v22, v23;
	v20 =	vmul.f32 $8.000000000e+00, v39  }
0x8e: {  	v22 =	vor.u32 s6, v14;
	v31 =	vld.idx.msk [tilespmem:v27+s15+$0x0], $0xffff;
	[tilespmem:s31+$0x30] =	vst v17;
	v17 =	vadd.f32 v19, v23;
	v19 =	vmul.f32 $8.000000000e+00, v41  }
0x8f: {  	v25 =	vor.u32 s6, v13;
	v33 =	vld.idx.msk [tilespmem:v32+s15+$0x0], $0xffff;
	[tilespmem:s31+$0x40] =	vst v16;
	v16 =	vadd.f32 v20, v23  }
0x90: {  	v26 =	vor.u32 s6, v12;
	v32 =	vld.idx.msk [tilespmem:v18+s15+$0x0], $0xffff;
	[tilespmem:s31+$0x50] =	vst v17;
	v17 =	vadd.f32 v19, v23  }
0x91: {  	v27 =	vor.u32 s6, v11;
	v24 =	vld.idx.msk [tilespmem:v24+s12+$0x0], $0xffff;
	[tilespmem:s31+$0x60] =	vst v16  }
.Ltmp2:
0x92: {  	v41 =	vor.u32 s6, v10;
	v23 =	vld.idx.msk [tilespmem:v21+s15+$0x0], $0xffff;
	[tilespmem:s31+$0x70] =	vst v17;
	(pc) =	sbr.rel @p1 .LBB2_7-.Ltmp2, $4  }
0x93: {  	v39 =	vor.u32 s6, v9;
	v21 =	vld.idx.msk [tilespmem:v22+s15+$0x0], $0xffff;
	[tilespmem:s31+$0x80] =	vst v38  }
0x94: {  	v40 =	vor.u32 s6, v8;
	s3 =	sadd.s32 $0x2, s2;
	v20 =	vor.u32 s2, v15;
	v19 =	vor.u32 s2, v14;
	v22 =	vld.idx.msk [tilespmem:v25+s15+$0x0], $0xffff;
	[tilespmem:s31+$0x90] =	vst v43  }
0x95: {  	v42 =	vor.u32 s3, v15;
	v18 =	vor.u32 s2, v13;
	v17 =	vor.u32 s2, v12;
	v25 =	vld.idx.msk [tilespmem:v26+s15+$0x0], $0xffff;
	[tilespmem:s31+$0xA0] =	vst v44  }
0x96: {  	s7 =	sadd.s32 $0x3, s0;
	v16 =	vor.u32 s0, v11;
	s2 =	sadd.s32 $0x4, s2;
	v38 =	vor.u32 s3, v14;
	v43 =	vmul.f32 $8.000000000e+00, v46;
	v26 =	vld.idx.msk [tilespmem:v27+s15+$0x0], $0xffff;
	[tilespmem:s31+$0xB0] =	vst v45  }
0x97: {  	_ =	sdelay $0x3  }
0x98: {  	v27 =	vor.u32 s7, v8;
	v41 =	vld.idx.msk [tilespmem:v41+s15+$0x0], $0xffff;
	s6 =	sadd.s32 s28, s6  }
0x99: {  	v39 =	vld.idx.msk [tilespmem:v39+s15+$0x0], $0xffff;
	v15 =	vor.u32 s7, v15;
	v45 =	vmov s6  }
0x9a: {  	v40 =	vld.idx.msk [tilespmem:v40+s15+$0x0], $0xffff;
	[tilespmem:s31+$0xC0] =	vst v37;
	v28 =	vmul.f32 $8.000000000e+00, v28;
	v52 =	vor.u32 s7, v14;
	v29 =	vmul.f32 $8.000000000e+00, v29  }
0x9b: {  	v37 =	vld.idx.msk [tilespmem:v42+s15+$0x0], $0xffff;
	[tilespmem:s31+$0xD0] =	vst v36;
	v53 =	vor.u32 s7, v13;
	v34 =	vmul.f32 $8.000000000e+00, v34;
	v43 =	vadd.f32 v43, v24  }
0x9c: {  	[tilespmem:s31+$0xE0] =	vst v35;
	v54 =	vor.u32 s7, v12;
	v30 =	vmul.f32 $8.000000000e+00, v30;
	v49 =	vld.idx.msk [tilespmem:v38+s15+$0x0], $0xffff;
	v28 =	vadd.f32 v28, v24  }
0x9d: {  	v55 =	vor.u32 s7, v11;
	v31 =	vmul.f32 $8.000000000e+00, v31;
	v29 =	vadd.f32 v29, v24;
	[tilespmem:s31+$0xFFFFFF00] =	vst v43;
	v27 =	vld.idx.msk [tilespmem:v27+s15+$0x0], $0xffff  }
0x9e: {  	v57 =	vor.u32 s7, v10;
	v59 =	vmul.f32 $8.000000000e+00, v33;
	v56 =	vadd.f32 v34, v24;
	[tilespmem:s31+$0xFFFFFF10] =	vst v28;
	v43 =	vld.idx.msk [tilespmem:v45+s12+$0x0], $0xffff  }
0x9f: {  	v60 =	vor.u32 s7, v9;
	v63 =	vor.u32 s3, v13;
	v58 =	vadd.f32 v30, v24;
	[tilespmem:s31+$0xFFFFFF20] =	vst v29;
	v33 =	vld.idx.msk [tilespmem:v52+s15+$0x0], $0xffff  }
0xa0: {  	s2 =	sadd.s32 s28, s7;
	v62 =	vmul.f32 $8.000000000e+00, v32;
	v47 =	vor.u32 s3, v12;
	v61 =	vadd.f32 v31, v24;
	[tilespmem:s31+$0xFFFFFF30] =	vst v56;
	v32 =	vld.idx.msk [tilespmem:v53+s15+$0x0], $0xffff  }
0xa1: {  	s7 =	sadd.s32 s28, s3;
	v23 =	vmul.f32 $8.000000000e+00, v23;
	v44 =	vmov s2;
	v36 =	vadd.f32 v59, v24;
	[tilespmem:s31+$0xFFFFFF40] =	vst v58;
	v30 =	vld.idx.msk [tilespmem:v54+s15+$0x0], $0xffff  }
0xa2: {  	v46 =	vmov s7;
	v21 =	vmul.f32 $8.000000000e+00, v21;
	[tilespmem:s31+$0xFFFFFF50] =	vst v61;
	v31 =	vld.idx.msk [tilespmem:v55+s15+$0x0], $0xffff;
	v45 =	vadd.f32 v62, v24  }
0xa3: {  	v48 =	vor.u32 s3, v11;
	v22 =	vmul.f32 $8.000000000e+00, v22;
	[tilespmem:s31+$0xFFFFFF60] =	vst v36;
	v29 =	vld.idx.msk [tilespmem:v57+s15+$0x0], $0xffff;
	v23 =	vadd.f32 v23, v43  }
0xa4: {  	s8 =	sadd.s32 $0x200, s31;
	v25 =	vmul.f32 $8.000000000e+00, v25;
	v13 =	vld.idx.msk [tilespmem:v63+s15+$0x0], $0xffff;
	[tilespmem:s31+$0xFFFFFF70] =	vst v45;
	v21 =	vadd.f32 v21, v43  }
0xa5: {  	v50 =	vor.u32 s3, v10;
	v26 =	vmul.f32 $8.000000000e+00, v26;
	v12 =	vld.idx.msk [tilespmem:v47+s15+$0x0], $0xffff;
	v22 =	vadd.f32 v22, v43;
	[tilespmem:s8+$0xFFFFFF80] =	vst v23  }
0xa6: {  	v53 =	vmul.f32 $8.000000000e+00, v41;
	v14 =	vld.idx.msk [tilespmem:v44+s12+$0x0], $0xffff;
	v54 =	vadd.f32 v25, v43;
	[tilespmem:s8+$0xFFFFFF90] =	vst v21  }
0xa7: {  	v55 =	vmul.f32 $8.000000000e+00, v39;
	v28 =	vld.idx.msk [tilespmem:v46+s12+$0x0], $0xffff;
	v56 =	vadd.f32 v26, v43;
	[tilespmem:s8+$0xFFFFFFA0] =	vst v22  }
0xa8: {  	v52 =	vor.u32 s3, v8;
	v57 =	vmul.f32 $8.000000000e+00, v40;
	v11 =	vld.idx.msk [tilespmem:v48+s15+$0x0], $0xffff;
	v58 =	vadd.f32 v53, v43;
	[tilespmem:s8+$0xFFFFFFB0] =	vst v54  }
0xa9: {  	v51 =	vor.u32 s3, v9;
	v24 =	vld.idx.msk [tilespmem:v60+s15+$0x0], $0xffff;
	v27 =	vmul.f32 $8.000000000e+00, v27;
	v60 =	vadd.f32 v55, v43;
	[tilespmem:s8+$0xFFFFFFC0] =	vst v56  }
0xaa: {  	v59 =	vmul.f32 $8.000000000e+00, v37;
	v35 =	vld.idx.msk [tilespmem:v50+s15+$0x0], $0xffff;
	v62 =	vadd.f32 v57, v43;
	[tilespmem:s8+$0xFFFFFFD0] =	vst v58  }
0xab: {  	v15 =	vld.idx.msk [tilespmem:v15+s15+$0x0], $0xffff;
	v61 =	vmul.f32 $8.000000000e+00, v49;
	v27 =	vadd.f32 v27, v14;
	[tilespmem:s8+$0xFFFFFFE0] =	vst v60  }
0xac: {  	v13 =	vmul.f32 $8.000000000e+00, v13;
	v63 =	vadd.f32 v59, v28;
	[tilespmem:s8+$0xFFFFFFF0] =	vst v62  }
0xad: {  	v12 =	vmul.f32 $8.000000000e+00, v12;
	v26 =	vadd.f32 v61, v28;
	v23 =	vld.idx.msk [tilespmem:v52+s15+$0x0], $0xffff;
	[tilespmem:s8+$0xF0] =	vst v27  }
0xae: {  	s23 =	sadd.s32 s28, s0;
	v11 =	vmul.f32 $8.000000000e+00, v11;
	v13 =	vadd.f32 v13, v28;
	v27 =	vld.idx.msk [tilespmem:v51+s15+$0x0], $0xffff;
	[tilespmem:s8+$0x0] =	vst v63  }
0xaf: {  	v36 =	vmov s23;
	v34 =	vmul.f32 $8.000000000e+00, v35;
	v12 =	vadd.f32 v12, v28;
	[tilespmem:s8+$0x10] =	vst v26  }
0xb0: {  	v15 =	vmul.f32 $8.000000000e+00, v15;
	v11 =	vadd.f32 v11, v28;
	[tilespmem:s8+$0x20] =	vst v13  }
0xb1: {  	v20 =	vld.idx.msk [tilespmem:v20+s15+$0x0], $0xffff;
	v40 =	vmul.f32 $8.000000000e+00, v33;
	v37 =	vadd.f32 v34, v28;
	[tilespmem:s8+$0x30] =	vst v12  }
0xb2: {  	v42 =	vor.u32 s0, v10;
	v19 =	vld.idx.msk [tilespmem:v19+s15+$0x0], $0xffff;
	v48 =	vmul.f32 $8.000000000e+00, v31;
	v15 =	vadd.f32 v15, v14;
	[tilespmem:s8+$0x40] =	vst v11  }
0xb3: {  	v18 =	vld.idx.msk [tilespmem:v18+s15+$0x0], $0xffff;
	v44 =	vor.u32 s0, v9;
	v43 =	vmul.f32 $8.000000000e+00, v32;
	v45 =	vadd.f32 v40, v14;
	[tilespmem:s8+$0x50] =	vst v37  }
0xb4: {  	v8 =	vor.u32 s0, v8;
	v49 =	vmul.f32 $8.000000000e+00, v29;
	v50 =	vadd.f32 v48, v14;
	v22 =	vld.idx.msk [tilespmem:v36+s12+$0x0], $0xffff;
	[tilespmem:s8+$0x80] =	vst v15  }
0xb5: {  	v17 =	vld.idx.msk [tilespmem:v17+s15+$0x0], $0xffff;
	v46 =	vmul.f32 $8.000000000e+00, v30;
	v47 =	vadd.f32 v43, v14;
	[tilespmem:s8+$0x90] =	vst v45  }
0xb6: {  	v16 =	vld.idx.msk [tilespmem:v16+s15+$0x0], $0xffff;
	v52 =	vadd.f32 v49, v14;
	v51 =	vmul.f32 $8.000000000e+00, v24;
	[tilespmem:s8+$0xC0] =	vst v50  }
0xb7: {  	v10 =	vld.idx.msk [tilespmem:v42+s15+$0x0], $0xffff;
	v53 =	vmul.f32 $8.000000000e+00, v20;
	v13 =	vadd.f32 v46, v14;
	[tilespmem:s8+$0xA0] =	vst v47  }
0xb8: {  	v9 =	vld.idx.msk [tilespmem:v44+s15+$0x0], $0xffff;
	v55 =	vmul.f32 $8.000000000e+00, v19;
	[tilespmem:s8+$0xD0] =	vst v52;
	v54 =	vadd.f32 v51, v14  }
0xb9: {  	v8 =	vld.idx.msk [tilespmem:v8+s15+$0x0], $0xffff;
	v57 =	vmul.f32 $8.000000000e+00, v18;
	[tilespmem:s8+$0xB0] =	vst v13;
	v56 =	vadd.f32 v53, v22  }
0xba: {  	v59 =	vmul.f32 $8.000000000e+00, v17;
	v58 =	vadd.f32 v55, v22;
	[tilespmem:s8+$0xE0] =	vst v54  }
0xbb: {  	v61 =	vmul.f32 $8.000000000e+00, v16;
	v60 =	vadd.f32 v57, v22;
	[tilespmem:s8+$0xFFFFFF00] =	vst v56  }
0xbc: {  	v10 =	vmul.f32 $8.000000000e+00, v10;
	v62 =	vadd.f32 v59, v22;
	[tilespmem:s8+$0xFFFFFF10] =	vst v58  }
0xbd: {  	v9 =	vmul.f32 $8.000000000e+00, v9;
	v63 =	vadd.f32 v61, v22;
	[tilespmem:s8+$0xFFFFFF20] =	vst v60  }
0xbe: {  	v8 =	vmul.f32 $8.000000000e+00, v8;
	v10 =	vadd.f32 v10, v22;
	[tilespmem:s8+$0xFFFFFF30] =	vst v62  }
0xbf: {  	v38 =	vmul.f32 $8.000000000e+00, v23;
	v9 =	vadd.f32 v9, v22;
	[tilespmem:s8+$0xFFFFFF40] =	vst v63  }
0xc0: {  	p1 =	seq.s32 s25, $0x63;
	v8 =	vadd.f32 v8, v22;
	v35 =	vmul.f32 $8.000000000e+00, v27;
	[tilespmem:s8+$0xFFFFFF50] =	vst v10  }
.Ltmp3:
0xc1: {  	s31 =	sshll.u32 s25, $0x13;
	v41 =	vadd.f32 v38, v28;
	[tilespmem:s8+$0xFFFFFF60] =	vst v9;
	(pc) =	sbr.rel @!p1 .LBB2_9-.Ltmp3, $4  }
0xc2: {  	s0 =	sor.u32 s5, s31;
	[tilespmem:s8+$0xFFFFFF70] =	vst v8;
	v39 =	vadd.f32 v35, v28  }
0xc3: {  	s0 =	sshrl.u32 s0, $0x3;
	[tilespmem:s8+$0x70] =	vst v41  }
0xc4: {  	s0 =	sadd.s32 s1, s0;
	[tilespmem:s8+$0x60] =	vst v39  }
0xc5: {  	[hbm4b:s0+s9] =	stream.strided.scatter [tilespmem:s19], [sflag:$0x3], $0x2000, s10, s9, $0x38;
	[tilespmem:$0x15900] =	vst v63  }
.Ltmp4:
0xc6: {  	(pc) =	sbr.rel .LBB2_12-.Ltmp4, $4  }
0xc7: {  	_ = 	snop  }
0xc8: {  	_ =	swait.ge [sflag:s20], $0x4000  }
0xc9: {  	[sflag:s20] =	ssyncset.done $0x0  }
0xca: {  	[sflag:s20] =	ssyncadd.s32 $0xFFFFC000  }
.LBB2_9:
0xcb: {  	s2 =	sadd.s32 $0x100, s30  }
0xcc: {  	v8 =	vmov s2;
	_ =	sdelay $0x3  }
0xcd: {  	s0 =	simm.s32 $0x0;
	p1 =	por $0x1, $0x1  }
.LBB2_10:
0xce: {  	v9 =	vld.idx.msk [tilespmem:v8+s0+$0x0 ss:$0x1], $0xffff  }
0xcf: {  	v10 =	vld.idx.msk [tilespmem:v8+s0+$0x10 ss:$0x1], $0xffff  }
0xd0: {  	v11 =	vld.idx.msk [tilespmem:v8+s0+$0x20 ss:$0x1], $0xffff  }
0xd1: {  	v12 =	vld.idx.msk [tilespmem:v8+s0+$0x30 ss:$0x1], $0xffff  }
0xd2: {  	p2 =	por p1, p1  }
.Ltmp5:
0xd3: {  	v9 =	vshrl.u32 v9, $0x1;
	(pc) =	sbr.rel @p2 .LBB2_10-.Ltmp5, $4  }
0xd4: {  	[tilespmem:s0+$0x9800] =	vst v9;
	v9 =	vshrl.u32 v10, $0x1  }
0xd5: {  	[tilespmem:s0+$0x9810] =	vst v9;
	v9 =	vshrl.u32 v11, $0x1  }
0xd6: {  	[tilespmem:s0+$0x9820] =	vst v9;
	v9 =	vshrl.u32 v12, $0x1  }
0xd7: {  	p1 =	por $0x0, $0x0;
	[tilespmem:s0+$0x9830] =	vst v9;
	s0 =	simm.s32 $0x40  }
.Ltmp6:
0xd8: {  	(pc) =	sbr.rel @p0 .LBB2_13-.Ltmp6, $4  }
0xd9: {  	[tilespmem:s15], [sflag:$0x1] =	stream.indirect.gather [hbm4b:s4+s13], $0x80, s14, s13, $0xb8;
	[tilespmem:$0x15900] =	vst v63  }
0xda: {  	_ =	swait.ge [sflag:s20], $0x4000  }
0xdb: {  	[sflag:s20] =	ssyncset.done $0x0  }
0xdc: {  	[sflag:s20] =	ssyncadd.s32 $0xFFFFC000  }
.LBB2_12:
0xdd: {  	_ =	swait.ge [sflag:s21], $0x2000  }
0xde: {  	[sflag:s21] =	ssyncset.done $0x0  }
0xdf: {  	[sflag:s21] =	ssyncadd.s32 $0xFFFFE000  }
.LBB2_13:
0xe0: {  	v8 =	vld [tilespmem:s29+$0x0]  }
0xe1: {  	v9 =	vld [tilespmem:s29+$0x10]  }
0xe2: {  	v10 =	vld [tilespmem:s29+$0x20]  }
0xe3: {  	v11 =	vld [tilespmem:s29+$0x40]  }
0xe4: {  	v12 =	vld [tilespmem:s29+$0x50]  }
0xe5: {  	v13 =	vld [tilespmem:s29+$0x60]  }
0xe6: {  	v14 =	vld [tilespmem:s29+$0x70];
	s7 =	sadd.s32 $0xFFFFFFFC, s28  }
0xe7: {  	v18 =	vld [tilespmem:s29+$0x30];
	s29 =	sadd.s32 $0x44, s7  }
0xe8: {  	v34 =	vmov s29;
	v15 =	vshll.u32 v8, $0x6  }
0xe9: {  	v8 =	vshll.u32 v9, $0x6;
	v16 =	vshll.u32 v10, $0x6;
	v9 =	vshll.u32 v11, $0x6  }
0xea: {  	v12 =	vshll.u32 v12, $0x6;
	v11 =	vshll.u32 v13, $0x6;
	v8 =	vand.u32 $0x40, v8  }
0xeb: {  	s0 =	simm.s32 $0x0;
	v13 =	vshll.u32 v14, $0x6;
	v9 =	vand.u32 $0x40, v9;
	v8 =	vor.u32 v1, v8  }
0xec: {  	v10 =	vand.u32 $0x40, v15;
	v9 =	vor.u32 v4, v9;
	v17 =	vor.u32 s0, v8  }
0xed: {  	v11 =	vand.u32 $0x40, v11;
	v10 =	vor.u32 v0, v10;
	v19 =	vor.u32 s0, v9  }
0xee: {  	v13 =	vand.u32 $0x40, v13;
	v11 =	vor.u32 v6, v11;
	v20 =	vor.u32 s0, v10  }
0xef: {  	v12 =	vand.u32 $0x40, v12;
	v13 =	vor.u32 v7, v13;
	v21 =	vor.u32 s0, v11  }
0xf0: {  	s2 =	simm.s32 $0x1;
	v15 =	vand.u32 $0x40, v16;
	v14 =	vor.u32 v5, v12;
	v48 =	vld.idx.msk [tilespmem:v34+s12+$0x0], $0xffff;
	v12 =	vor.u32 s0, v13  }
0xf1: {  	v15 =	vor.u32 v2, v15;
	v22 =	vor.u32 s2, v14;
	v17 =	vld.idx.msk [tilespmem:v17+s17+$0x0], $0xffff  }
0xf2: {  	v16 =	vshll.u32 v18, $0x6;
	v18 =	vor.u32 s0, v15;
	v19 =	vld.idx.msk [tilespmem:v19+s17+$0x0], $0xffff  }
0xf3: {  	s3 =	simm.s32 $0x2;
	v24 =	vor.u32 s2, v8;
	v23 =	vld.idx.msk [tilespmem:v20+s17+$0x0], $0xffff  }
0xf4: {  	s6 =	simm.s32 $0x3;
	v26 =	vor.u32 s3, v14;
	v25 =	vld.idx.msk [tilespmem:v21+s17+$0x0], $0xffff  }
0xf5: {  	v27 =	vor.u32 s6, v10;
	v29 =	vld.idx.msk [tilespmem:v12+s17+$0x0], $0xffff  }
0xf6: {  	v28 =	vor.u32 s2, v15;
	v22 =	vld.idx.msk [tilespmem:v22+s17+$0x0], $0xffff  }
0xf7: {  	v39 =	vor.u32 s6, v9;
	v18 =	vld.idx.msk [tilespmem:v18+s17+$0x0], $0xffff  }
0xf8: {  	v43 =	vor.u32 s6, v15;
	v24 =	vld.idx.msk [tilespmem:v24+s17+$0x0], $0xffff  }
0xf9: {  	v47 =	vor.u32 s2, v10;
	v37 =	vld.idx.msk [tilespmem:v26+s17+$0x0], $0xffff  }
0xfa: {  	v46 =	vor.u32 s6, v13;
	v36 =	vld.idx.msk [tilespmem:v27+s17+$0x0], $0xffff  }
0xfb: {  	v16 =	vand.u32 $0x40, v16;
	v45 =	vor.u32 s6, v8;
	v41 =	vld.idx.msk [tilespmem:v28+s17+$0x0], $0xffff  }
0xfc: {  	v16 =	vor.u32 v3, v16;
	v20 =	vor.u32 s0, v14;
	v51 =	vld.idx.msk [tilespmem:v39+s17+$0x0], $0xffff  }
0xfd: {  	v21 =	vor.u32 s0, v16;
	v53 =	vld.idx.msk [tilespmem:v43+s17+$0x0], $0xffff  }
0xfe: {  	s8 =	sadd.s32 $0x47, s7;
	s31 =	sadd.s32 $0x45, s7;
	v12 =	vor.u32 s2, v9;
	v55 =	vld.idx.msk [tilespmem:v47+s17+$0x0], $0xffff  }
0xff: {  	v31 =	vmov s8;
	v42 =	vmov s31;
	v35 =	vor.u32 s3, v11;
	v56 =	vld.idx.msk [tilespmem:v46+s17+$0x0], $0xffff  }
0x100: {  	v40 =	vor.u32 s3, v10;
	v44 =	vor.u32 s3, v13;
	v60 =	vor.u32 s3, v9;
	v57 =	vld.idx.msk [tilespmem:v45+s17+$0x0], $0xffff  }
0x101: {  	v54 =	vor.u32 s6, v11;
	v49 =	vor.u32 s2, v16;
	v27 =	vor.u32 s2, v13;
	v30 =	vld.idx.msk [tilespmem:v20+s17+$0x0], $0xffff  }
0x102: {  	v6 =	vmovc v3;
	v26 =	vor.u32 s3, v8;
	v20 =	vor.u32 s6, v16;
	v32 =	vld.idx.msk [tilespmem:v21+s17+$0x0], $0xffff;
	v3 =	vmul.f32 $8.000000000e+00, v19  }
0x103: {  	v28 =	vor.u32 s6, v14;
	v33 =	vld.idx.msk [tilespmem:v12+s17+$0x0], $0xffff;
	v19 =	vmul.f32 $8.000000000e+00, v17;
	v18 =	vmul.f32 $8.000000000e+00, v18  }
0x104: {  	v45 =	vor.u32 s2, v11;
	v12 =	vld.idx.msk [tilespmem:v31+s12+$0x0], $0xffff;
	v23 =	vmul.f32 $8.000000000e+00, v23;
	v52 =	vmul.f32 $8.000000000e+00, v29  }
0x105: {  	s7 =	sadd.s32 $0x46, s7;
	v21 =	vor.u32 s3, v15;
	v31 =	vld.idx.msk [tilespmem:v35+s17+$0x0], $0xffff;
	v29 =	vmul.f32 $8.000000000e+00, v36;
	v25 =	vmul.f32 $8.000000000e+00, v25  }
0x106: {  	v50 =	vld.idx.msk [tilespmem:v27+s17+$0x0], $0xffff;
	v27 =	vmov s7;
	v47 =	vmul.f32 $8.000000000e+00, v51;
	v63 =	vmul.f32 $8.000000000e+00, v53  }
0x107: {  	v35 =	vadd.f32 v19, v48;
	v46 =	vadd.f32 v18, v48;
	v19 =	vmul.f32 $8.000000000e+00, v24;
	v38 =	vld.idx.msk [tilespmem:v20+s17+$0x0], $0xffff  }
0x108: {  	v62 =	vadd.f32 v3, v48;
	v18 =	vld.idx.msk [tilespmem:v42+s12+$0x0], $0xffff;
	v42 =	vadd.f32 v25, v48;
	v24 =	vmul.f32 $8.000000000e+00, v22  }
0x109: {  	v39 =	vld.idx.msk [tilespmem:v44+s17+$0x0], $0xffff;
	v22 =	vmul.f32 $8.000000000e+00, v55;
	v44 =	vadd.f32 v52, v48;
	v32 =	vmul.f32 $8.000000000e+00, v32  }
0x10a: {  	v25 =	vmul.f32 $8.000000000e+00, v41;
	v20 =	vor.u32 s3, v16;
	v30 =	vmul.f32 $8.000000000e+00, v30  }
0x10b: {  	v34 =	vld.idx.msk [tilespmem:v60+s17+$0x0], $0xffff;
	v17 =	vmul.f32 $8.000000000e+00, v33;
	v29 =	vadd.f32 v29, v12;
	v43 =	vadd.f32 v32, v48  }
0x10c: {  	s29 =	simm.s32 $0x13AF0;
	v36 =	vld.idx.msk [tilespmem:v49+s17+$0x0], $0xffff;
	v58 =	vadd.f32 v30, v48;
	v32 =	vmul.f32 $8.000000000e+00, v37;
	v61 =	vmul.f32 $8.000000000e+00, v38  }
0x10d: {  	[tilespmem:s29+$0xFFFFFE50] =	vst v62;
	v30 =	vld.idx.msk [tilespmem:v40+s17+$0x0], $0xffff;
	v37 =	vmul.f32 $8.000000000e+00, v57;
	v40 =	vadd.f32 v63, v12;
	v38 =	vadd.f32 v23, v48  }
0x10e: {  	s25 =	sadd.s32 $0x1, s25;
	s30 =	simm.s32 $0x13AF0;
	v7 =	vmovc v2;
	v41 =	vld.idx.msk [tilespmem:v54+s17+$0x0], $0xffff;
	[tilespmem:s29+$0xFFFFFE60] =	vst v58;
	v23 =	vmul.f32 $8.000000000e+00, v50;
	v48 =	vmul.f32 $8.000000000e+00, v56;
	v33 =	vadd.f32 v61, v12  }
.LBB2_14:
0x10f: {  	[tilespmem:s29+$0xFFFFFE30] =	vst v46;
	v31 =	vmul.f32 $8.000000000e+00, v31;
	v46 =	vld.idx.msk [tilespmem:v28+s17+$0x0], $0xffff;
	v28 =	vadd.f32 v47, v12;
	s30 =	sadd.s32 $0x200, s30;
	s7 =	smov.u32 s0;
	s0 =	sadd.s32 $0x4, s0  }
0x110: {  	v47 =	vor.u32 s0, v10;
	v49 =	vor.u32 s0, v8;
	p0 =	slt.u32 s0, $0x3C;
	[tilespmem:s29+$0xFFFFFE40] =	vst v43;
	v26 =	vld.idx.msk [tilespmem:v26+s17+$0x0], $0xffff;
	v43 =	vadd.f32 v48, v12  }
0x111: {  	v48 =	vor.u32 s0, v15;
	v50 =	vor.u32 s0, v16;
	v51 =	vor.u32 s0, v9;
	s2 =	sadd.s32 $0x5, s7;
	v45 =	vld.idx.msk [tilespmem:v45+s17+$0x0], $0xffff;
	[tilespmem:s29+$0xFFFFFFD0] =	vst v28  }
0x112: {  	v52 =	vor.u32 s0, v13;
	v39 =	vmul.f32 $8.000000000e+00, v39;
	v28 =	vor.u32 s0, v11;
	[tilespmem:s29+$0xFFFFFE70] =	vst v42;
	v42 =	vld.idx.msk [tilespmem:v27+s12+$0x0], $0xffff  }
0x113: {  	v53 =	vor.u32 s2, v15;
	v27 =	vor.u32 s2, v8;
	[tilespmem:s29+$0xFFFFFE10] =	vst v38;
	v38 =	vmul.f32 $8.000000000e+00, v36;
	v54 =	vld.idx.msk [tilespmem:v20+s17+$0x0], $0xffff  }
0x114: {  	s3 =	sadd.s32 $0x6, s7;
	v55 =	vor.u32 s2, v9;
	v56 =	vor.u32 s2, v14;
	v57 =	vmul.f32 $8.000000000e+00, v30;
	[tilespmem:s29+$0xFFFFFE80] =	vst v44;
	v44 =	vld.idx.msk [tilespmem:v21+s17+$0x0], $0xffff  }
0x115: {  	v34 =	vmul.f32 $8.000000000e+00, v34;
	s8 =	sadd.s32 s28, s7;
	v58 =	vor.u32 s2, v13;
	v30 =	vor.u32 s3, v10;
	v49 =	vld.idx.msk [tilespmem:v49+s17+$0x0], $0xffff;
	[tilespmem:s29+$0xFFFFFE20] =	vst v35  }
0x116: {  	s31 =	sadd.s32 $0x45, s8;
	s6 =	sadd.s32 $0x46, s8;
	v20 =	vor.u32 s3, v16;
	v41 =	vmul.f32 $8.000000000e+00, v41;
	v21 =	vor.u32 s3, v15;
	v35 =	vld.idx.msk [tilespmem:v51+s17+$0x0], $0xffff;
	[tilespmem:s29+$0x0] =	vst v43  }
0x117: {  	s23 =	sadd.s32 $0x44, s8;
	v59 =	vor.u32 s3, v14;
	s8 =	sadd.s32 $0x47, s8;
	v51 =	vmov s31;
	v43 =	vld.idx.msk [tilespmem:v47+s17+$0x0], $0xffff;
	v47 =	vor.u32 s0, v14  }
0x118: {  	s7 =	sadd.s32 $0x7, s7;
	v60 =	vmov s23;
	v36 =	vor.u32 s3, v13;
	v45 =	vmul.f32 $8.000000000e+00, v45;
	v61 =	vld.idx.msk [tilespmem:v28+s17+$0x0], $0xffff;
	[tilespmem:s29+$0xFFFFFF90] =	vst v29  }
0x119: {  	v62 =	vor.u32 s7, v13;
	v63 =	vmul.f32 $8.000000000e+00, v26;
	v29 =	vld.idx.msk [tilespmem:v52+s17+$0x0], $0xffff;
	v52 =	vor.u32 s7, v8;
	[tilespmem:s29+$0xFFFFFFB0] =	vst v40  }
0x11a: {  	v26 =	vor.u32 s3, v8;
	v54 =	vmul.f32 $8.000000000e+00, v54;
	v40 =	vld.idx.msk [tilespmem:v56+s17+$0x0], $0xffff;
	v56 =	vor.u32 s7, v10;
	[tilespmem:s29+$0xFFFFFFC0] =	vst v33  }
0x11b: {  	v0 =	vor.u32 s7, v9;
	v28 =	vadd.f32 v57, v42;
	v33 =	vld.idx.msk [tilespmem:v48+s17+$0x0], $0xffff;
	v48 =	vor.u32 s2, v10  }
0x11c: {  	v1 =	vmov s8;
	v57 =	vor.u32 s3, v11;
	v44 =	vmul.f32 $8.000000000e+00, v44;
	v47 =	vld.idx.msk [tilespmem:v47+s17+$0x0], $0xffff  }
0x11d: {  	v3 =	vor.u32 s2, v16;
	v4 =	vor.u32 s7, v16;
	v2 =	vld.idx.msk [tilespmem:v27+s17+$0x0], $0xffff;
	[tilespmem:s29+$0xFFFFFF10] =	vst v28;
	v27 =	vadd.f32 v37, v12  }
0x11e: {  	v31 =	vadd.f32 v31, v42;
	v28 =	vor.u32 s7, v14;
	v37 =	vld.idx.msk [tilespmem:v50+s17+$0x0], $0xffff;
	v50 =	vadd.f32 v63, v42  }
0x11f: {  	v32 =	vadd.f32 v32, v42;
	v45 =	vadd.f32 v45, v18;
	v63 =	vor.u32 s7, v15;
	v55 =	vld.idx.msk [tilespmem:v55+s17+$0x0], $0xffff;
	[tilespmem:s29+$0xFFFFFFA0] =	vst v27  }
0x120: {  	v5 =	vmul.f32 $8.000000000e+00, v35;
	v35 =	vadd.f32 v44, v42;
	v44 =	vadd.f32 v54, v42;
	v59 =	vld.idx.msk [tilespmem:v59+s17+$0x0], $0xffff;
	[tilespmem:s29+$0xFFFFFF20] =	vst v50  }
0x121: {  	v49 =	vmul.f32 $8.000000000e+00, v49;
	v27 =	vmov s6;
	v33 =	vmul.f32 $8.000000000e+00, v33;
	v50 =	vld.idx.msk [tilespmem:v56+s17+$0x0], $0xffff;
	[tilespmem:s29+$0xFFFFFF70] =	vst v31  }
0x122: {  	v43 =	vmul.f32 $8.000000000e+00, v43;
	v31 =	vmul.f32 $8.000000000e+00, v46;
	v4 =	vld.idx.msk [tilespmem:v4+s17+$0x0], $0xffff;
	[tilespmem:s29+$0xFFFFFF60] =	vst v32;
	v32 =	vadd.f32 v41, v12  }
0x123: {  	v38 =	vadd.f32 v38, v18;
	v41 =	vld.idx.msk [tilespmem:v53+s17+$0x0], $0xffff;
	v53 =	vor.u32 s7, v11;
	[tilespmem:s29+$0xFFFFFF30] =	vst v35;
	v35 =	vadd.f32 v39, v42  }
0x124: {  	v39 =	vadd.f32 v31, v12;
	v12 =	vld.idx.msk [tilespmem:v1+s12+$0x0], $0xffff;
	[tilespmem:s29+$0xFFFFFFF0] =	vst v32  }
0x125: {  	v34 =	vadd.f32 v34, v42;
	v32 =	vmul.f32 $8.000000000e+00, v55;
	v1 =	vld.idx.msk [tilespmem:v60+s12+$0x0], $0xffff;
	[tilespmem:s29+$0xFFFFFF80] =	vst v35  }
0x126: {  	v24 =	vadd.f32 v24, v18;
	v54 =	vadd.f32 v23, v18;
	v31 =	vld.idx.msk [tilespmem:v57+s17+$0x0], $0xffff;
	[tilespmem:s29+$0xFFFFFEF0] =	vst v45  }
0x127: {  	v25 =	vadd.f32 v25, v18;
	v42 =	vadd.f32 v17, v18;
	v55 =	vmul.f32 $8.000000000e+00, v29;
	v23 =	vld.idx.msk [tilespmem:v58+s17+$0x0], $0xffff;
	[tilespmem:s29+$0xFFFFFF50] =	vst v34  }
0x128: {  	v29 =	vmul.f32 $8.000000000e+00, v50;
	v45 =	vadd.f32 v19, v18;
	v17 =	vmovc v32;
	v4 =	vmul.f32 $8.000000000e+00, v4;
	v0 =	vld.idx.msk [tilespmem:v0+s17+$0x0], $0xffff;
	[tilespmem:s29+$0xFFFFFEC0] =	vst v38  }
0x129: {  	v32 =	vmul.f32 $8.000000000e+00, v47;
	v47 =	vor.u32 s3, v9;
	v34 =	vmul.f32 $8.000000000e+00, v61;
	v50 =	vld.idx.msk [tilespmem:v63+s17+$0x0], $0xffff;
	[tilespmem:s29+$0xFFFFFEB0] =	vst v25  }
0x12a: {  	v25 =	vmul.f32 $8.000000000e+00, v37;
	v29 =	vadd.f32 v29, v12;
	v37 =	vld.idx.msk [tilespmem:v48+s17+$0x0], $0xffff;
	v48 =	vadd.f32 v22, v18;
	[tilespmem:s29+$0xFFFFFEE0] =	vst v24  }
0x12b: {  	v19 =	vmul.f32 $8.000000000e+00, v2;
	v38 =	vadd.f32 v43, v1;
	v35 =	vadd.f32 v49, v1;
	v2 =	vld.idx.msk [tilespmem:v62+s17+$0x0], $0xffff;
	[tilespmem:s29+$0xFFFFFFE0] =	vst v39  }
0x12c: {  	v46 =	vadd.f32 v33, v1;
	v43 =	vadd.f32 v25, v1;
	v49 =	vld.idx.msk [tilespmem:v52+s17+$0x0], $0xffff;
	[tilespmem:s29+$0xFFFFFED0] =	vst v42  }
0x12d: {  	v5 =	vadd.f32 v5, v1;
	v52 =	vadd.f32 v32, v1;
	v23 =	vmul.f32 $8.000000000e+00, v23;
	v18 =	vld.idx.msk [tilespmem:v51+s12+$0x0], $0xffff;
	[tilespmem:s29+$0xFFFFFF40] =	vst v44  }
.Ltmp7:
0x12e: {  	v33 =	vadd.f32 v4, v12;
	v42 =	vadd.f32 v34, v1;
	v34 =	vld.idx.msk [tilespmem:v47+s17+$0x0], $0xffff;
	[tilespmem:s29+$0xFFFFFEA0] =	vst v45;
	(pc) =	sbr.rel @p0 .LBB2_14-.Ltmp7, $4  }
0x12f: {  	v24 =	vmul.f32 $8.000000000e+00, v40;
	v45 =	vor.u32 s2, v11;
	v47 =	vmul.f32 $8.000000000e+00, v0;
	v39 =	vld.idx.msk [tilespmem:v36+s17+$0x0], $0xffff;
	[tilespmem:s29+$0xFFFFFF00] =	vst v54  }
0x130: {  	v44 =	vadd.f32 v55, v1;
	v0 =	vmul.f32 $8.000000000e+00, v50;
	v22 =	vmul.f32 $8.000000000e+00, v37;
	v36 =	vld.idx.msk [tilespmem:v3+s17+$0x0], $0xffff;
	[tilespmem:s29+$0xFFFFFE90] =	vst v48;
	s29 =	smov.u32 s30  }
0x131: {  	v25 =	vmul.f32 $8.000000000e+00, v41;
	v32 =	vmul.f32 $8.000000000e+00, v59;
	[tilespmem:s30+$0xFFFFFE50] =	vst v5;
	v30 =	vld.idx.msk [tilespmem:v30+s17+$0x0], $0xffff  }
0x132: {  	v40 =	vadd.f32 v0, v12;
	v48 =	vmul.f32 $8.000000000e+00, v2;
	v37 =	vmul.f32 $8.000000000e+00, v49;
	[tilespmem:s30+$0xFFFFFE60] =	vst v52;
	v41 =	vld.idx.msk [tilespmem:v53+s17+$0x0], $0xffff  }
0x133: {  	[tilespmem:s29+$0xFFFFFE30] =	vst v46  }
0x134: {  	[tilespmem:s29+$0xFFFFFE40] =	vst v43  }
0x135: {  	[tilespmem:s29+$0xFFFFFE70] =	vst v42  }
0x136: {  	[tilespmem:s29+$0xFFFFFE10] =	vst v38  }
0x137: {  	v1 =	vld.idx.msk [tilespmem:v28+s17+$0x0], $0xffff;
	[tilespmem:s29+$0xFFFFFE80] =	vst v44  }
0x138: {  	v2 =	vld.idx.msk [tilespmem:v27+s12+$0x0], $0xffff;
	[tilespmem:s29+$0xFFFFFE20] =	vst v35  }
0x139: {  	v0 =	vadd.f32 v47, v12;
	v4 =	vld.idx.msk [tilespmem:v21+s17+$0x0], $0xffff;
	[tilespmem:s29+$0xFFFFFF90] =	vst v29  }
0x13a: {  	[tilespmem:s29+$0xFFFFFFC0] =	vst v33  }
0x13b: {  	v3 =	vadd.f32 v48, v12;
	[tilespmem:s29+$0xFFFFFFD0] =	vst v0;
	v0 =	vld.idx.msk [tilespmem:v26+s17+$0x0], $0xffff;
	v5 =	vmul.f32 $8.000000000e+00, v30  }
0x13c: {  	[tilespmem:s29+$0xFFFFFFB0] =	vst v40;
	v10 =	vadd.f32 v37, v12  }
0x13d: {  	v8 =	vmul.f32 $8.000000000e+00, v31;
	[tilespmem:s29+$0x0] =	vst v3;
	v5 =	vadd.f32 v5, v2  }
0x13e: {  	v3 =	vld.idx.msk [tilespmem:v45+s17+$0x0], $0xffff;
	[tilespmem:s29+$0xFFFFFFA0] =	vst v10;
	v4 =	vmul.f32 $8.000000000e+00, v4;
	v63 =	vadd.f32 v32, v2  }
0x13f: {  	v9 =	vld.idx.msk [tilespmem:v20+s17+$0x0], $0xffff;
	v1 =	vmul.f32 $8.000000000e+00, v1;
	[tilespmem:s29+$0xFFFFFF10] =	vst v5;
	v5 =	vadd.f32 v8, v2  }
0x140: {  	v0 =	vmul.f32 $8.000000000e+00, v0;
	v4 =	vadd.f32 v4, v2;
	[tilespmem:s29+$0xFFFFFF60] =	vst v63  }
0x141: {  	v8 =	vmul.f32 $8.000000000e+00, v41;
	v1 =	vadd.f32 v1, v12;
	[tilespmem:s29+$0xFFFFFF70] =	vst v5  }
0x142: {  	v0 =	vadd.f32 v0, v2;
	[tilespmem:s29+$0xFFFFFF30] =	vst v4  }
0x143: {  	v3 =	vmul.f32 $8.000000000e+00, v3;
	v5 =	vadd.f32 v8, v12;
	[tilespmem:s29+$0xFFFFFFE0] =	vst v1  }
0x144: {  	v1 =	vadd.f32 v19, v18;
	[tilespmem:s29+$0xFFFFFF20] =	vst v0;
	v0 =	vmul.f32 $8.000000000e+00, v39  }
0x145: {  	v3 =	vadd.f32 v3, v18;
	[tilespmem:s29+$0xFFFFFFF0] =	vst v5  }
0x146: {  	v4 =	vmul.f32 $8.000000000e+00, v36;
	[tilespmem:s29+$0xFFFFFEA0] =	vst v1;
	v0 =	vadd.f32 v0, v2  }
0x147: {  	v8 =	vmul.f32 $8.000000000e+00, v34;
	[tilespmem:s29+$0xFFFFFEF0] =	vst v3;
	v3 =	vadd.f32 v25, v18  }
0x148: {  	[tilespmem:s29+$0xFFFFFF80] =	vst v0;
	v0 =	vadd.f32 v4, v18  }
0x149: {  	v5 =	vadd.f32 v8, v2;
	[tilespmem:s29+$0xFFFFFEB0] =	vst v3  }
0x14a: {  	v3 =	vadd.f32 v17, v18;
	[tilespmem:s29+$0xFFFFFEC0] =	vst v0;
	v0 =	vmul.f32 $8.000000000e+00, v9  }
0x14b: {  	[tilespmem:s29+$0xFFFFFF50] =	vst v5;
	v4 =	vadd.f32 v24, v18  }
0x14c: {  	[tilespmem:s29+$0xFFFFFED0] =	vst v3;
	v0 =	vadd.f32 v0, v2  }
0x14d: {  	[tilespmem:s29+$0xFFFFFEE0] =	vst v4;
	v2 =	vadd.f32 v23, v18  }
0x14e: {  	[tilespmem:s29+$0xFFFFFF40] =	vst v0;
	v0 =	vadd.f32 v22, v18  }
0x14f: {  	[tilespmem:s29+$0xFFFFFF00] =	vst v2  }
0x150: {  	[tilespmem:s29+$0xFFFFFE90] =	vst v0  }
0x151: {  	p0 =	sne.s32 s25, $0x64;
	v0 =	vld [tilespmem:$0x1FFB0]  }
.Ltmp8:
0x152: {  	s0 =	sshll.u32 s26, $0x12;
	v1 =	vld [tilespmem:$0x1FFA0];
	(pc) =	sbr.rel @p0 .LBB2_4-.Ltmp8, $4  }
0x153: {  	s0 =	sor.u32 s5, s0;
	v4 =	vld [tilespmem:$0x1FFC0]  }
0x154: {  	s0 =	sshrl.u32 s0, $0x3;
	v5 =	vld [tilespmem:$0x1FFD0]  }
0x155: {  	s0 =	sadd.s32 s1, s0;
	v3 =	vmov v6;
	v6 =	vld [tilespmem:$0x1FFE0]  }
0x156: {  	v2 =	vmov v7;
	[hbm4b:s0+s9] =	stream.strided.scatter [tilespmem:s22], [sflag:$0x4], $0x2000, s10, s9, $0x38;
	v7 =	vld [tilespmem:$0x1FFF0]  }
0x157: {  	s0 =	simm.s32 $0x3  }
0x158: {  	_ =	swait.ge [sflag:s0], $0x2000  }
0x159: {  	[sflag:s0] =	ssyncset.done $0x0  }
0x15a: {  	[sflag:s0] =	ssyncadd.s32 $0xFFFFE000  }
0x15b: {  	_ =	swait.ge [sflag:s21], $0x2000  }
0x15c: {  	s24 =	sadd.s32 $0x1, s24;
	s31 =	rddreg [dreg:$0x6]  }
0x15d: {  	p0 =	sne.s32 s24, s31  }
.Ltmp9:
0x15e: {  	_ = 	snop;
	(pc) =	sbr.rel @p0 .LBB2_1-.Ltmp9, $3  }
0x15f: {  	_ =	sdelay $0x1  }
0x160: {  	[sflag:s21] =	ssyncset.done $0x0  }
0x161: {  	[sflag:s21] =	ssyncadd.s32 $0xFFFFE000  }
0x162: {  	_ =	sfence.sel $0x180000  }
0x163: {  	[bflag:$0x0] =	sbarrier.arrive $0xFFFF  }
0x164: {  	_ =	strace $0x90000047  }
0x165: {  	s0 =	stileid.u32;
	[bflag:$0x2] =	sbarrier.arrive $0xFFFF  }
0x166: {  	p0 =	sne.s32 s0, $0x0;
	s0 =	rddreg [dreg:$0x3]  }
0x167: {  	s0 =	sadd.s32 @!p0 $0x100000, s0  }
0x168: {  	[sflag:s0] =	ssyncadd.tile.s32 @!p0 $0x1;
	_ =	shalt  }
.Lfunc_end2:
_tile_overlayer_lowered:
.L_overlay_start_2:
0x169: {  	(tag) =	ssettag $0x2  }
0x16a: {  	s0 =	rddreg [dreg:$0x0];
	s2 =	stileid.u32  }
0x16b: {  	s1 =	rddreg [dreg:$0x1];
	p0 =	sne.s32 s2, $0x0  }
0x16c: {  	s3 =	rddreg [dreg:$0x2];
	[bflag:$0x3] =	sbarrier.arrive $0xFFFF;
	s2 =	simm.s32 @!p0 $0x1C05  }
0x16d: {  	[timem:s3], [sflag:s2] =	dma.local @!p0 [hbm:s0], s1  }
0x16e: {  	s0 =	simm.s32 @!p0 $0x5  }
0x16f: {  	_ =	swait.ge @!p0 [sflag:s0], s1  }
0x170: {  	s1 =	ssub.s32 @!p0 $0x0, s1;
	[sflag:s0] =	ssyncset.done @!p0 $0x0  }
0x171: {  	[sflag:s0] =	ssyncadd.s32 @!p0 s1  }
0x172: {  	[bflag:$0x3] =	sbarrier.arrive $0xFFFF  }
0x173: {  	_ =	shalt  }

</sc_bundles>
